<compile_context>
chip_gen: v7x
topology: tpu7x:2x2x1
jax: 0.10.2.dev20260603
libtpu: 0.0.44.dev20260713+nightly
codegen_flags: <defaults>
</compile_context>

<pallas_src>
import functools

import jax
import jax.numpy as jnp
from jax import lax
from jax.experimental import pallas as pl
from jax.experimental.pallas import tpu as pltpu
from jax.experimental.pallas import tpu_sc as plsc

N_NODES = 10000
N_PAD = 10240
E_EDGES = 320000
NC, NS = 2, 16
NW = NC * NS
CHUNK = 128
EPW = E_EDGES // NW
K_CHUNKS = -(-EPW // CHUNK)
EPW_PAD = K_CHUNKS * CHUNK
RPT = N_PAD // NS
BT = 1024

_MESH = plsc.VectorSubcoreMesh(core_axis_name="c", subcore_axis_name="s")
_SC_PARAMS = pltpu.CompilerParams(use_tc_tiling_on_sc=False)



@functools.partial(
    pl.kernel,
    out_type=jax.ShapeDtypeStruct((NC, N_PAD, 16), jnp.float32),
    mesh=_MESH,
    scratch_types=[
        pltpu.VMEM((K_CHUNKS, CHUNK), jnp.int32),
        pltpu.VMEM((CHUNK, 16), jnp.float32),
        pltpu.VMEM_SHARED((N_PAD, 16), jnp.float32),
        pltpu.SemaphoreType.DMA,
    ],
    compiler_params=_SC_PARAMS,
)
def _deg_kernel(dst_hbm, zrows_hbm, out_hbm, idx_v, ones_v, acc_sh, sem):
    c = lax.axis_index("c")
    s = lax.axis_index("s")
    wid = c * NS + s
    lane = lax.iota(jnp.int32, 16)
    unit = jnp.where(lane == 0, jnp.float32(1.0), jnp.float32(0.0))

    @pl.loop(0, CHUNK)
    def _(r):
        ones_v[r, :] = unit

    rows = pl.ds(s * RPT, RPT)
    pltpu.sync_copy(zrows_hbm.at[rows], acc_sh.at[rows])
    pltpu.sync_copy(dst_hbm.at[wid], idx_v)
    plsc.subcore_barrier()

    @pl.loop(0, K_CHUNKS, step=8)
    def _(g):
        for b in range(8):
            @pl.when(g + b < K_CHUNKS)
            def _():
                pltpu.async_copy(ones_v, acc_sh.at[idx_v.at[g + b]], sem,
                                 add=True)
        for b in range(8):
            @pl.when(g + b < K_CHUNKS)
            def _():
                pltpu.make_async_copy(
                    ones_v, acc_sh.at[idx_v.at[g + b]], sem).wait()

    plsc.subcore_barrier()
    pltpu.sync_copy(acc_sh.at[rows], out_hbm.at[c, rows])


NBUF = 2


def _agg_pipeline(hs_sh, acc_sh, srcv, dstv, bufs, gsems, ssems):
    for b in range(NBUF):
        pltpu.async_copy(hs_sh.at[srcv.at[b]], bufs[b], gsems[b])

    @pl.loop(0, K_CHUNKS, step=NBUF)
    def _(g):
        for b in range(NBUF):
            j = g + b

            @pl.when(j < K_CHUNKS)
            def _():
                pltpu.make_async_copy(
                    hs_sh.at[srcv.at[j]], bufs[b], gsems[b]).wait()
                pltpu.async_copy(
                    bufs[b], acc_sh.at[dstv.at[j]], ssems[b], add=True)

        for b in range(NBUF):
            j = g + b

            @pl.when(j + NBUF < K_CHUNKS)
            def _():
                pltpu.make_async_copy(
                    bufs[b], acc_sh.at[dstv.at[j]], ssems[b]).wait()
                pltpu.async_copy(
                    hs_sh.at[srcv.at[j + NBUF]], bufs[b], gsems[b])

    for b in range(NBUF):
        jlast = ((K_CHUNKS - 1 - b) // NBUF) * NBUF + b
        pltpu.make_async_copy(
            bufs[b], acc_sh.at[dstv.at[jlast]], ssems[b]).wait()


def _make_agg_kernel(feat):
    @functools.partial(
        pl.kernel,
        out_type=jax.ShapeDtypeStruct((NC, N_PAD, feat), jnp.float32),
        mesh=_MESH,
        scratch_types=[
            pltpu.VMEM((K_CHUNKS, CHUNK), jnp.int32),
            pltpu.VMEM((K_CHUNKS, CHUNK), jnp.int32),
            [pltpu.VMEM((CHUNK, feat), jnp.float32) for _ in range(NBUF)],
            pltpu.VMEM_SHARED((N_PAD, feat), jnp.float32),
            pltpu.VMEM_SHARED((N_PAD, feat), jnp.float32),
            [pltpu.SemaphoreType.DMA for _ in range(NBUF)],
            [pltpu.SemaphoreType.DMA for _ in range(NBUF)],
        ],
        compiler_params=_SC_PARAMS,
    )
    def agg(hs_hbm, src_hbm, dst_hbm, zrows_hbm, out_hbm,
            srcv, dstv, bufs, hs_sh, acc_sh, gsems, ssems):
        c = lax.axis_index("c")
        s = lax.axis_index("s")
        wid = c * NS + s
        rows = pl.ds(s * RPT, RPT)
        pltpu.sync_copy(hs_hbm.at[rows], hs_sh.at[rows])
        pltpu.sync_copy(zrows_hbm.at[rows], acc_sh.at[rows])
        pltpu.sync_copy(src_hbm.at[wid], srcv)
        pltpu.sync_copy(dst_hbm.at[wid], dstv)
        plsc.subcore_barrier()
        _agg_pipeline(hs_sh, acc_sh, srcv, dstv, bufs, gsems, ssems)
        plsc.subcore_barrier()
        pltpu.sync_copy(acc_sh.at[rows], out_hbm.at[c, rows])

    return agg


@functools.partial(
    pl.kernel,
    out_type=(jax.ShapeDtypeStruct((NC, N_PAD, 64), jnp.float32),
              jax.ShapeDtypeStruct((NC, N_PAD, 64), jnp.float32)),
    mesh=_MESH,
    scratch_types=[
        pltpu.VMEM((K_CHUNKS, CHUNK), jnp.int32),
        pltpu.VMEM((K_CHUNKS, CHUNK), jnp.int32),
        [pltpu.VMEM((CHUNK, 64), jnp.float32) for _ in range(NBUF)],
        pltpu.VMEM_SHARED((N_PAD, 64), jnp.float32),
        pltpu.VMEM_SHARED((N_PAD, 64), jnp.float32),
        [pltpu.SemaphoreType.DMA for _ in range(NBUF)],
        [pltpu.SemaphoreType.DMA for _ in range(NBUF)],
    ],
    compiler_params=_SC_PARAMS,
)
def _agg2_kernel(ha_hbm, hb_hbm, src_hbm, dst_hbm, zrows_hbm, qa_hbm, qb_hbm,
                 srcv, dstv, bufs, hs_sh, acc_sh, gsems, ssems):
    c = lax.axis_index("c")
    s = lax.axis_index("s")
    wid = c * NS + s
    rows = pl.ds(s * RPT, RPT)
    pltpu.sync_copy(ha_hbm.at[rows], hs_sh.at[rows])
    pltpu.sync_copy(zrows_hbm.at[rows], acc_sh.at[rows])
    pltpu.sync_copy(src_hbm.at[wid], srcv)
    pltpu.sync_copy(dst_hbm.at[wid], dstv)
    plsc.subcore_barrier()
    _agg_pipeline(hs_sh, acc_sh, srcv, dstv, bufs, gsems, ssems)
    plsc.subcore_barrier()
    pltpu.sync_copy(acc_sh.at[rows], qa_hbm.at[c, rows])
    pltpu.sync_copy(hb_hbm.at[rows], hs_sh.at[rows])
    pltpu.sync_copy(zrows_hbm.at[rows], acc_sh.at[rows])
    plsc.subcore_barrier()
    _agg_pipeline(hs_sh, acc_sh, srcv, dstv, bufs, gsems, ssems)
    plsc.subcore_barrier()
    pltpu.sync_copy(acc_sh.at[rows], qb_hbm.at[c, rows])


_agg64 = _make_agg_kernel(64)



def _dis_from(degp_ref):
    return lax.rsqrt(degp_ref[0, :, 0:1] + degp_ref[1, :, 0:1] + 1.0)


def _mmul_body(x_ref, w_ref, o_ref):
    o_ref[...] = jnp.dot(x_ref[...], w_ref[...],
                         preferred_element_type=jnp.float32)


def _scale_body(m_ref, degp_ref, o_ref):
    o_ref[...] = m_ref[...] * _dis_from(degp_ref)


def _mid_body(p_ref, hs1_ref, degp_ref, w2_ref, b1_ref, oa_ref, ob_ref):
    dis = _dis_from(degp_ref)
    agg = p_ref[0] + p_ref[1] + hs1_ref[...]
    h2 = jnp.maximum(agg * dis + b1_ref[...], 0.0)
    hs2 = jnp.dot(h2, w2_ref[...], preferred_element_type=jnp.float32) * dis
    oa_ref[...] = hs2[:, :64]
    ob_ref[...] = hs2[:, 64:]


def _out_body(qa_ref, qb_ref, hs2a_ref, hs2b_ref, degp_ref, b2_ref, o_ref):
    dis = _dis_from(degp_ref)
    o_ref[:, :64] = (qa_ref[0] + qa_ref[1] + hs2a_ref[...]) * dis + b2_ref[:, :64]
    o_ref[:, 64:] = (qb_ref[0] + qb_ref[1] + hs2b_ref[...]) * dis + b2_ref[:, 64:]


def _row_spec(f):
    return pl.BlockSpec((BT, f), lambda i: (i, 0))


def _part_spec(f):
    return pl.BlockSpec((NC, BT, f), lambda i: (0, i, 0))


def _full_spec(shape):
    return pl.BlockSpec(shape, lambda i: tuple(0 for _ in shape))


_GRID = (N_PAD // BT,)

_mmul = pl.pallas_call(
    _mmul_body,
    grid=_GRID,
    in_specs=[_row_spec(128), _full_spec((128, 64))],
    out_specs=_row_spec(64),
    out_shape=jax.ShapeDtypeStruct((N_PAD, 64), jnp.float32),
)

_scale = pl.pallas_call(
    _scale_body,
    grid=_GRID,
    in_specs=[_row_spec(64), _part_spec(16)],
    out_specs=_row_spec(64),
    out_shape=jax.ShapeDtypeStruct((N_PAD, 64), jnp.float32),
)

_mid = pl.pallas_call(
    _mid_body,
    grid=_GRID,
    in_specs=[_part_spec(64), _row_spec(64), _part_spec(16),
              _full_spec((64, 128)), _full_spec((1, 64))],
    out_specs=[_row_spec(64), _row_spec(64)],
    out_shape=[jax.ShapeDtypeStruct((N_PAD, 64), jnp.float32)] * 2,
)

_out = pl.pallas_call(
    _out_body,
    grid=_GRID,
    in_specs=[_part_spec(64), _part_spec(64), _row_spec(64), _row_spec(64),
              _part_spec(16), _full_spec((1, 128))],
    out_specs=_row_spec(128),
    out_shape=jax.ShapeDtypeStruct((N_PAD, 128), jnp.float32),
)



def kernel(x, edge_index, W1, b1, W2, b2):
    ei = edge_index.astype(jnp.int32)
    pad_len = EPW_PAD * NW - E_EDGES
    pad = jnp.full((pad_len,), N_NODES, jnp.int32)
    src = jnp.concatenate([ei[0], pad]).reshape(NW, K_CHUNKS, CHUNK)
    dst = jnp.concatenate([ei[1], pad]).reshape(NW, K_CHUNKS, CHUNK)

    x_ext = jnp.zeros((N_PAD, 128), jnp.float32).at[:N_NODES].set(x)
    z16 = jnp.zeros((N_PAD, 16), jnp.float32)
    z64 = jnp.zeros((N_PAD, 64), jnp.float32)

    m1 = _mmul(x_ext, W1)
    degp = _deg_kernel(dst, z16)
    hs1 = _scale(m1, degp)
    p = _agg64(hs1, src, dst, z64)
    hs2a, hs2b = _mid(p, hs1, degp, W2, b1.reshape(1, 64))
    qa, qb = _agg2_kernel(hs2a, hs2b, src, dst, z64)
    out = _out(qa, qb, hs2a, hs2b, degp, b2.reshape(1, 128))
    return out[:N_NODES]

# --- scband reference (transcript-rebuilt; emitter-appended) ---
"""Pipeline reference for scband-gcn-net-17454747091288 (READ-ONLY COPY).

The authoritative reference and input builder live on the scoring server;
editing this copy changes nothing except your own understanding.
"""

import jax, jax.numpy as jnp
import numpy as np

N_NODES = 10000

def gcn_conv(x, W, b, edge_index, num_nodes):
    # Linear transform first (as in PyG GCNConv)
    x = x @ W
    src = edge_index[0]
    dst = edge_index[1]
    # add self loops
    loop = jnp.arange(num_nodes, dtype=edge_index.dtype)
    src = jnp.concatenate([src, loop])
    dst = jnp.concatenate([dst, loop])
    # symmetric normalization D^{-1/2} (A+I) D^{-1/2}
    deg = jnp.zeros((num_nodes,), dtype=x.dtype).at[dst].add(1.0)
    deg_inv_sqrt = jnp.where(deg > 0, deg ** -0.5, 0.0)
    norm = deg_inv_sqrt[src] * deg_inv_sqrt[dst]
    msg = x[src] * norm[:, None]
    out = jax.ops.segment_sum(msg, dst, num_segments=num_nodes)
    return out + b

def setup_inputs(seed: int = 0) -> dict:
    key = jax.random.key(seed)
    k1, k2, k3, k4, k5, k6 = jax.random.split(key, 6)
    x = jax.random.normal(k1, (N_NODES, 128), dtype=jnp.float32)
    edge_index = jax.random.randint(k2, (2, 320000), 0, N_NODES, dtype=jnp.int64)
    # glorot-style init for GCN weights
    W1 = jax.random.normal(k3, (128, 64), dtype=jnp.float32) * (1.0 / np.sqrt(128))
    b1 = jnp.zeros((64,), dtype=jnp.float32)
    W2 = jax.random.normal(k4, (64, 128), dtype=jnp.float32) * (1.0 / np.sqrt(64))
    b2 = jnp.zeros((128,), dtype=jnp.float32)
    return {"x": x, "edge_index": edge_index, "W1": W1, "b1": b1, "W2": W2, "b2": b2}

def reference(x, edge_index, W1, b1, W2, b2):
    h = gcn_conv(x, W1, b1, edge_index, N_NODES)
    h = jax.nn.relu(h)
    out = gcn_conv(h, W2, b2, edge_index, N_NODES)
    return out

if __name__ == "__main__":
    import jax
    _d = setup_inputs()
    print(jax.jit(kernel)(*tuple(_d.values())))

</pallas_src>

<mosaic_0001>
#map = affine_map<(d0, d1) -> (0, 0)>
#map1 = affine_map<(d0, d1) -> (0, 0, 0)>
module attributes {stable_mosaic.version = 14 : i64} {
  func.func @agg(%arg0: i32, %arg1: i32, %arg2: memref<10240x64xf32, #tpu.memory_space<hbm>>, %arg3: memref<32x79x128xi32, #tpu.memory_space<hbm>>, %arg4: memref<32x79x128xi32, #tpu.memory_space<hbm>>, %arg5: memref<10240x64xf32, #tpu.memory_space<hbm>>, %arg6: memref<2x10240x64xf32, #tpu.memory_space<hbm>>, %arg7: memref<79x128xi32, #tpu.memory_space<vmem>>, %arg8: memref<79x128xi32, #tpu.memory_space<vmem>>, %arg9: memref<128x64xf32, #tpu.memory_space<vmem>>, %arg10: memref<128x64xf32, #tpu.memory_space<vmem>>, %arg11: memref<10240x64xf32, #tpu.memory_space<vmem_shared>>, %arg12: memref<10240x64xf32, #tpu.memory_space<vmem_shared>>, %arg13: memref<!tpu.dma_semaphore, #tpu.memory_space<semaphore_mem>>, %arg14: memref<!tpu.dma_semaphore, #tpu.memory_space<semaphore_mem>>, %arg15: memref<!tpu.dma_semaphore, #tpu.memory_space<semaphore_mem>>, %arg16: memref<!tpu.dma_semaphore, #tpu.memory_space<semaphore_mem>>) attributes {dimension_semantics = [#tpu.dimension_semantics<core_parallel>, #tpu.dimension_semantics<subcore_parallel>], iteration_bounds = array<i64: 2, 16>, scalar_prefetch = 0 : i64, scratch_operands = 10 : i64, tpu.core_type = #tpu.core_type<sc_vector_subcore>, window_params = [{transform_indices = #map}, {transform_indices = #map1}, {transform_indices = #map1}, {transform_indices = #map}, {transform_indices = #map1}]} {
    %mul3A = arith.constant 16 : i32
    %mul3A_0 = arith.muli %arg0, %mul3A : i32
    %add3A = arith.addi %mul3A_0, %arg1 : i32
    %mul3A_1 = arith.constant 640 : i32
    %mul3A_2 = arith.muli %arg1, %mul3A_1 : i32
    "tpu.region"() ({
      %run_scoped3A = tpu.sem_alloc : memref<!tpu.dma_semaphore, #tpu.memory_space<semaphore_mem>>
      %dma_start3A_34 = arith.constant 0 : i32
      %dma_start3A_35 = tpu.memref_slice %arg11[%mul3A_2, %dma_start3A_34] : memref<10240x64xf32, #tpu.memory_space<vmem_shared>> -> memref<640x64xf32, #tpu.memory_space<vmem_shared>>
      %dma_start3A_36 = arith.constant 0 : i32
      %dma_start3A_37 = tpu.memref_slice %arg2[%mul3A_2, %dma_start3A_36] : memref<10240x64xf32, #tpu.memory_space<hbm>> -> memref<640x64xf32, #tpu.memory_space<hbm>>
      tpu.enqueue_dma source(%dma_start3A_37 : memref<640x64xf32, #tpu.memory_space<hbm>>) target(%dma_start3A_35 : memref<640x64xf32, #tpu.memory_space<vmem_shared>>) target_semaphore(%run_scoped3A : memref<!tpu.dma_semaphore, #tpu.memory_space<semaphore_mem>>)
      %dma_wait3A_38 = arith.constant 0 : i32
      %dma_wait3A_39 = tpu.memref_slice %arg11[%mul3A_2, %dma_wait3A_38] : memref<10240x64xf32, #tpu.memory_space<vmem_shared>> -> memref<640x64xf32, #tpu.memory_space<vmem_shared>>
      %dma_wait3A_40 = arith.constant 0 : i32
      %dma_wait3A_41 = tpu.memref_slice %arg2[%mul3A_2, %dma_wait3A_40] : memref<10240x64xf32, #tpu.memory_space<hbm>> -> memref<640x64xf32, #tpu.memory_space<hbm>>
      tpu.wait_dma2 semaphore(%run_scoped3A : memref<!tpu.dma_semaphore, #tpu.memory_space<semaphore_mem>>) src(%dma_wait3A_41 : memref<640x64xf32, #tpu.memory_space<hbm>>) dst(%dma_wait3A_39 : memref<640x64xf32, #tpu.memory_space<vmem_shared>>)
      tpu.yield
    }) : () -> ()
    "tpu.region"() ({
      %run_scoped3A = tpu.sem_alloc : memref<!tpu.dma_semaphore, #tpu.memory_space<semaphore_mem>>
      %dma_start3A_34 = arith.constant 0 : i32
      %dma_start3A_35 = tpu.memref_slice %arg12[%mul3A_2, %dma_start3A_34] : memref<10240x64xf32, #tpu.memory_space<vmem_shared>> -> memref<640x64xf32, #tpu.memory_space<vmem_shared>>
      %dma_start3A_36 = arith.constant 0 : i32
      %dma_start3A_37 = tpu.memref_slice %arg5[%mul3A_2, %dma_start3A_36] : memref<10240x64xf32, #tpu.memory_space<hbm>> -> memref<640x64xf32, #tpu.memory_space<hbm>>
      tpu.enqueue_dma source(%dma_start3A_37 : memref<640x64xf32, #tpu.memory_space<hbm>>) target(%dma_start3A_35 : memref<640x64xf32, #tpu.memory_space<vmem_shared>>) target_semaphore(%run_scoped3A : memref<!tpu.dma_semaphore, #tpu.memory_space<semaphore_mem>>)
      %dma_wait3A_38 = arith.constant 0 : i32
      %dma_wait3A_39 = tpu.memref_slice %arg12[%mul3A_2, %dma_wait3A_38] : memref<10240x64xf32, #tpu.memory_space<vmem_shared>> -> memref<640x64xf32, #tpu.memory_space<vmem_shared>>
      %dma_wait3A_40 = arith.constant 0 : i32
      %dma_wait3A_41 = tpu.memref_slice %arg5[%mul3A_2, %dma_wait3A_40] : memref<10240x64xf32, #tpu.memory_space<hbm>> -> memref<640x64xf32, #tpu.memory_space<hbm>>
      tpu.wait_dma2 semaphore(%run_scoped3A : memref<!tpu.dma_semaphore, #tpu.memory_space<semaphore_mem>>) src(%dma_wait3A_41 : memref<640x64xf32, #tpu.memory_space<hbm>>) dst(%dma_wait3A_39 : memref<640x64xf32, #tpu.memory_space<vmem_shared>>)
      tpu.yield
    }) : () -> ()
    "tpu.region"() ({
      %run_scoped3A = tpu.sem_alloc : memref<!tpu.dma_semaphore, #tpu.memory_space<semaphore_mem>>
      %dma_start3A_34 = arith.constant 0 : i32
      %dma_start3A_35 = arith.constant 0 : i32
      %dma_start3A_36 = tpu.memref_slice %arg3[%add3A, %dma_start3A_34, %dma_start3A_35] : memref<32x79x128xi32, #tpu.memory_space<hbm>> -> memref<1x79x128xi32, #tpu.memory_space<hbm>>
      %dma_start3A_37 = tpu.memref_squeeze %dma_start3A_36 : memref<1x79x128xi32, #tpu.memory_space<hbm>> -> memref<79x128xi32, #tpu.memory_space<hbm>>
      %dma_start3A_38 = arith.constant 0 : i32
      %dma_start3A_39 = arith.constant 0 : i32
      %dma_start3A_40 = tpu.memref_slice %arg3[%add3A, %dma_start3A_38, %dma_start3A_39] : memref<32x79x128xi32, #tpu.memory_space<hbm>> -> memref<1x79x128xi32, #tpu.memory_space<hbm>>
      %dma_start3A_41 = tpu.memref_squeeze %dma_start3A_40 : memref<1x79x128xi32, #tpu.memory_space<hbm>> -> memref<79x128xi32, #tpu.memory_space<hbm>>
      tpu.enqueue_dma source(%dma_start3A_41 : memref<79x128xi32, #tpu.memory_space<hbm>>) target(%arg7 : memref<79x128xi32, #tpu.memory_space<vmem>>) target_semaphore(%run_scoped3A : memref<!tpu.dma_semaphore, #tpu.memory_space<semaphore_mem>>)
      %dma_wait3A_42 = arith.constant 0 : i32
      %dma_wait3A_43 = arith.constant 0 : i32
      %dma_wait3A_44 = tpu.memref_slice %arg3[%add3A, %dma_wait3A_42, %dma_wait3A_43] : memref<32x79x128xi32, #tpu.memory_space<hbm>> -> memref<1x79x128xi32, #tpu.memory_space<hbm>>
      %dma_wait3A_45 = tpu.memref_squeeze %dma_wait3A_44 : memref<1x79x128xi32, #tpu.memory_space<hbm>> -> memref<79x128xi32, #tpu.memory_space<hbm>>
      %dma_wait3A_46 = arith.constant 0 : i32
      %dma_wait3A_47 = arith.constant 0 : i32
      %dma_wait3A_48 = tpu.memref_slice %arg3[%add3A, %dma_wait3A_46, %dma_wait3A_47] : memref<32x79x128xi32, #tpu.memory_space<hbm>> -> memref<1x79x128xi32, #tpu.memory_space<hbm>>
      %dma_wait3A_49 = tpu.memref_squeeze %dma_wait3A_48 : memref<1x79x128xi32, #tpu.memory_space<hbm>> -> memref<79x128xi32, #tpu.memory_space<hbm>>
      tpu.wait_dma2 semaphore(%run_scoped3A : memref<!tpu.dma_semaphore, #tpu.memory_space<semaphore_mem>>) src(%dma_wait3A_49 : memref<79x128xi32, #tpu.memory_space<hbm>>) dst(%arg7 : memref<79x128xi32, #tpu.memory_space<vmem>>)
      tpu.yield
    }) : () -> ()
    "tpu.region"() ({
      %run_scoped3A = tpu.sem_alloc : memref<!tpu.dma_semaphore, #tpu.memory_space<semaphore_mem>>
      %dma_start3A_34 = arith.constant 0 : i32
      %dma_start3A_35 = arith.constant 0 : i32
      %dma_start3A_36 = tpu.memref_slice %arg4[%add3A, %dma_start3A_34, %dma_start3A_35] : memref<32x79x128xi32, #tpu.memory_space<hbm>> -> memref<1x79x128xi32, #tpu.memory_space<hbm>>
      %dma_start3A_37 = tpu.memref_squeeze %dma_start3A_36 : memref<1x79x128xi32, #tpu.memory_space<hbm>> -> memref<79x128xi32, #tpu.memory_space<hbm>>
      %dma_start3A_38 = arith.constant 0 : i32
      %dma_start3A_39 = arith.constant 0 : i32
      %dma_start3A_40 = tpu.memref_slice %arg4[%add3A, %dma_start3A_38, %dma_start3A_39] : memref<32x79x128xi32, #tpu.memory_space<hbm>> -> memref<1x79x128xi32, #tpu.memory_space<hbm>>
      %dma_start3A_41 = tpu.memref_squeeze %dma_start3A_40 : memref<1x79x128xi32, #tpu.memory_space<hbm>> -> memref<79x128xi32, #tpu.memory_space<hbm>>
      tpu.enqueue_dma source(%dma_start3A_41 : memref<79x128xi32, #tpu.memory_space<hbm>>) target(%arg8 : memref<79x128xi32, #tpu.memory_space<vmem>>) target_semaphore(%run_scoped3A : memref<!tpu.dma_semaphore, #tpu.memory_space<semaphore_mem>>)
      %dma_wait3A_42 = arith.constant 0 : i32
      %dma_wait3A_43 = arith.constant 0 : i32
      %dma_wait3A_44 = tpu.memref_slice %arg4[%add3A, %dma_wait3A_42, %dma_wait3A_43] : memref<32x79x128xi32, #tpu.memory_space<hbm>> -> memref<1x79x128xi32, #tpu.memory_space<hbm>>
      %dma_wait3A_45 = tpu.memref_squeeze %dma_wait3A_44 : memref<1x79x128xi32, #tpu.memory_space<hbm>> -> memref<79x128xi32, #tpu.memory_space<hbm>>
      %dma_wait3A_46 = arith.constant 0 : i32
      %dma_wait3A_47 = arith.constant 0 : i32
      %dma_wait3A_48 = tpu.memref_slice %arg4[%add3A, %dma_wait3A_46, %dma_wait3A_47] : memref<32x79x128xi32, #tpu.memory_space<hbm>> -> memref<1x79x128xi32, #tpu.memory_space<hbm>>
      %dma_wait3A_49 = tpu.memref_squeeze %dma_wait3A_48 : memref<1x79x128xi32, #tpu.memory_space<hbm>> -> memref<79x128xi32, #tpu.memory_space<hbm>>
      tpu.wait_dma2 semaphore(%run_scoped3A : memref<!tpu.dma_semaphore, #tpu.memory_space<semaphore_mem>>) src(%dma_wait3A_49 : memref<79x128xi32, #tpu.memory_space<hbm>>) dst(%arg8 : memref<79x128xi32, #tpu.memory_space<vmem>>)
      tpu.yield
    }) : () -> ()
    %barrier3A = arith.constant 0 : index
    tpu.barrier barrier_id(%barrier3A)
    %dma_start3A = arith.constant 0 : i32
    %dma_start3A_3 = arith.constant 0 : i32
    %dma_start3A_4 = tpu.memref_slice %arg7[%dma_start3A, %dma_start3A_3] : memref<79x128xi32, #tpu.memory_space<vmem>> -> memref<1x128xi32, #tpu.memory_space<vmem>>
    %dma_start3A_5 = tpu.memref_squeeze %dma_start3A_4 : memref<1x128xi32, #tpu.memory_space<vmem>> -> memref<128xi32, #tpu.memory_space<vmem>>
    %dma_start3A_6 = arith.constant 0 : i32
    %dma_start3A_7 = arith.constant 0 : i32
    %dma_start3A_8 = tpu.memref_slice %arg11[%dma_start3A_6, %dma_start3A_7] : memref<10240x64xf32, #tpu.memory_space<vmem_shared>> -> memref<10240x64xf32, #tpu.memory_space<vmem_shared>>
    tpu.enqueue_indirect_dma source(%dma_start3A_8 : memref<10240x64xf32, #tpu.memory_space<vmem_shared>>) target(%arg9 : memref<128x64xf32, #tpu.memory_space<vmem>>) offsets(%dma_start3A_5 : memref<128xi32, #tpu.memory_space<vmem>>) semaphore(%arg13 : memref<!tpu.dma_semaphore, #tpu.memory_space<semaphore_mem>>)
    %dma_start3A_9 = arith.constant 1 : i32
    %dma_start3A_10 = arith.constant 0 : i32
    %dma_start3A_11 = tpu.memref_slice %arg7[%dma_start3A_9, %dma_start3A_10] : memref<79x128xi32, #tpu.memory_space<vmem>> -> memref<1x128xi32, #tpu.memory_space<vmem>>
    %dma_start3A_12 = tpu.memref_squeeze %dma_start3A_11 : memref<1x128xi32, #tpu.memory_space<vmem>> -> memref<128xi32, #tpu.memory_space<vmem>>
    %dma_start3A_13 = arith.constant 0 : i32
    %dma_start3A_14 = arith.constant 0 : i32
    %dma_start3A_15 = tpu.memref_slice %arg11[%dma_start3A_13, %dma_start3A_14] : memref<10240x64xf32, #tpu.memory_space<vmem_shared>> -> memref<10240x64xf32, #tpu.memory_space<vmem_shared>>
    tpu.enqueue_indirect_dma source(%dma_start3A_15 : memref<10240x64xf32, #tpu.memory_space<vmem_shared>>) target(%arg10 : memref<128x64xf32, #tpu.memory_space<vmem>>) offsets(%dma_start3A_12 : memref<128xi32, #tpu.memory_space<vmem>>) semaphore(%arg14 : memref<!tpu.dma_semaphore, #tpu.memory_space<semaphore_mem>>)
    %scan3A = arith.constant 0 : i32
    %scan3A_16 = arith.constant 40 : i32
    %scan3A_17 = arith.addi %scan3A, %scan3A_16 : i32
    %scan3A_18 = arith.constant 1 : i32
    scf.for %scan3A_34 = %scan3A to %scan3A_17 step %scan3A_18  : i32 {
      %mul3A_35 = arith.constant 2 : i32
      %mul3A_36 = arith.muli %scan3A_34, %mul3A_35 : i32
      %add3A_37 = arith.constant 0 : i32
      %add3A_38 = arith.addi %add3A_37, %mul3A_36 : i32
      %add3A_39 = arith.constant 0 : i32
      %add3A_40 = arith.addi %add3A_38, %add3A_39 : i32
      %lt3A = arith.constant 79 : i32
      %lt3A_41 = arith.cmpi slt, %add3A_40, %lt3A : i32
      %convert_element_type3A = arith.extui %lt3A_41 : i1 to i32
      %cond3A = arith.constant 0 : i32
      %cond3A_42 = arith.cmpi ne, %convert_element_type3A, %cond3A : i32
      scf.if %cond3A_42 {
        %dma_wait3A_68 = arith.constant 0 : i32
        %dma_wait3A_69 = tpu.memref_slice %arg7[%add3A_40, %dma_wait3A_68] : memref<79x128xi32, #tpu.memory_space<vmem>> -> memref<1x128xi32, #tpu.memory_space<vmem>>
        %dma_wait3A_70 = tpu.memref_squeeze %dma_wait3A_69 : memref<1x128xi32, #tpu.memory_space<vmem>> -> memref<128xi32, #tpu.memory_space<vmem>>
        %dma_wait3A_71 = arith.constant 0 : i32
        %dma_wait3A_72 = arith.constant 0 : i32
        %dma_wait3A_73 = tpu.memref_slice %arg11[%dma_wait3A_71, %dma_wait3A_72] : memref<10240x64xf32, #tpu.memory_space<vmem_shared>> -> memref<10240x64xf32, #tpu.memory_space<vmem_shared>>
        tpu.wait_indirect_dma semaphore(%arg13 : memref<!tpu.dma_semaphore, #tpu.memory_space<semaphore_mem>>) src(%dma_wait3A_73 : memref<10240x64xf32, #tpu.memory_space<vmem_shared>>) dst(%arg9 : memref<128x64xf32, #tpu.memory_space<vmem>>)
        %dma_start3A_74 = arith.constant 0 : i32
        %dma_start3A_75 = tpu.memref_slice %arg8[%add3A_40, %dma_start3A_74] : memref<79x128xi32, #tpu.memory_space<vmem>> -> memref<1x128xi32, #tpu.memory_space<vmem>>
        %dma_start3A_76 = tpu.memref_squeeze %dma_start3A_75 : memref<1x128xi32, #tpu.memory_space<vmem>> -> memref<128xi32, #tpu.memory_space<vmem>>
        %dma_start3A_77 = arith.constant 0 : i32
        %dma_start3A_78 = arith.constant 0 : i32
        %dma_start3A_79 = tpu.memref_slice %arg12[%dma_start3A_77, %dma_start3A_78] : memref<10240x64xf32, #tpu.memory_space<vmem_shared>> -> memref<10240x64xf32, #tpu.memory_space<vmem_shared>>
        tpu.enqueue_indirect_dma source(%arg9 : memref<128x64xf32, #tpu.memory_space<vmem>>) target(%dma_start3A_79 : memref<10240x64xf32, #tpu.memory_space<vmem_shared>>) offsets(%dma_start3A_76 : memref<128xi32, #tpu.memory_space<vmem>>) semaphore(%arg15 : memref<!tpu.dma_semaphore, #tpu.memory_space<semaphore_mem>>) {add = true}
      } else {
      }
      %add3A_43 = arith.constant 1 : i32
      %add3A_44 = arith.addi %add3A_38, %add3A_43 : i32
      %lt3A_45 = arith.constant 79 : i32
      %lt3A_46 = arith.cmpi slt, %add3A_44, %lt3A_45 : i32
      %convert_element_type3A_47 = arith.extui %lt3A_46 : i1 to i32
      %cond3A_48 = arith.constant 0 : i32
      %cond3A_49 = arith.cmpi ne, %convert_element_type3A_47, %cond3A_48 : i32
      scf.if %cond3A_49 {
        %dma_wait3A_68 = arith.constant 0 : i32
        %dma_wait3A_69 = tpu.memref_slice %arg7[%add3A_44, %dma_wait3A_68] : memref<79x128xi32, #tpu.memory_space<vmem>> -> memref<1x128xi32, #tpu.memory_space<vmem>>
        %dma_wait3A_70 = tpu.memref_squeeze %dma_wait3A_69 : memref<1x128xi32, #tpu.memory_space<vmem>> -> memref<128xi32, #tpu.memory_space<vmem>>
        %dma_wait3A_71 = arith.constant 0 : i32
        %dma_wait3A_72 = arith.constant 0 : i32
        %dma_wait3A_73 = tpu.memref_slice %arg11[%dma_wait3A_71, %dma_wait3A_72] : memref<10240x64xf32, #tpu.memory_space<vmem_shared>> -> memref<10240x64xf32, #tpu.memory_space<vmem_shared>>
        tpu.wait_indirect_dma semaphore(%arg14 : memref<!tpu.dma_semaphore, #tpu.memory_space<semaphore_mem>>) src(%dma_wait3A_73 : memref<10240x64xf32, #tpu.memory_space<vmem_shared>>) dst(%arg10 : memref<128x64xf32, #tpu.memory_space<vmem>>)
        %dma_start3A_74 = arith.constant 0 : i32
        %dma_start3A_75 = tpu.memref_slice %arg8[%add3A_44, %dma_start3A_74] : memref<79x128xi32, #tpu.memory_space<vmem>> -> memref<1x128xi32, #tpu.memory_space<vmem>>
        %dma_start3A_76 = tpu.memref_squeeze %dma_start3A_75 : memref<1x128xi32, #tpu.memory_space<vmem>> -> memref<128xi32, #tpu.memory_space<vmem>>
        %dma_start3A_77 = arith.constant 0 : i32
        %dma_start3A_78 = arith.constant 0 : i32
        %dma_start3A_79 = tpu.memref_slice %arg12[%dma_start3A_77, %dma_start3A_78] : memref<10240x64xf32, #tpu.memory_space<vmem_shared>> -> memref<10240x64xf32, #tpu.memory_space<vmem_shared>>
        tpu.enqueue_indirect_dma source(%arg10 : memref<128x64xf32, #tpu.memory_space<vmem>>) target(%dma_start3A_79 : memref<10240x64xf32, #tpu.memory_space<vmem_shared>>) offsets(%dma_start3A_76 : memref<128xi32, #tpu.memory_space<vmem>>) semaphore(%arg16 : memref<!tpu.dma_semaphore, #tpu.memory_space<semaphore_mem>>) {add = true}
      } else {
      }
      %add3A_50 = arith.constant 0 : i32
      %add3A_51 = arith.addi %add3A_38, %add3A_50 : i32
      %add3A_52 = arith.constant 2 : i32
      %add3A_53 = arith.addi %add3A_51, %add3A_52 : i32
      %lt3A_54 = arith.constant 79 : i32
      %lt3A_55 = arith.cmpi slt, %add3A_53, %lt3A_54 : i32
      %convert_element_type3A_56 = arith.extui %lt3A_55 : i1 to i32
      %cond3A_57 = arith.constant 0 : i32
      %cond3A_58 = arith.cmpi ne, %convert_element_type3A_56, %cond3A_57 : i32
      scf.if %cond3A_58 {
        %dma_wait3A_68 = arith.constant 0 : i32
        %dma_wait3A_69 = tpu.memref_slice %arg8[%add3A_51, %dma_wait3A_68] : memref<79x128xi32, #tpu.memory_space<vmem>> -> memref<1x128xi32, #tpu.memory_space<vmem>>
        %dma_wait3A_70 = tpu.memref_squeeze %dma_wait3A_69 : memref<1x128xi32, #tpu.memory_space<vmem>> -> memref<128xi32, #tpu.memory_space<vmem>>
        %dma_wait3A_71 = arith.constant 0 : i32
        %dma_wait3A_72 = arith.constant 0 : i32
        %dma_wait3A_73 = tpu.memref_slice %arg12[%dma_wait3A_71, %dma_wait3A_72] : memref<10240x64xf32, #tpu.memory_space<vmem_shared>> -> memref<10240x64xf32, #tpu.memory_space<vmem_shared>>
        tpu.wait_indirect_dma semaphore(%arg15 : memref<!tpu.dma_semaphore, #tpu.memory_space<semaphore_mem>>) src(%arg9 : memref<128x64xf32, #tpu.memory_space<vmem>>) dst(%dma_wait3A_73 : memref<10240x64xf32, #tpu.memory_space<vmem_shared>>)
        %add3A_74 = arith.constant 2 : i32
        %add3A_75 = arith.addi %add3A_51, %add3A_74 : i32
        %dma_start3A_76 = arith.constant 0 : i32
        %dma_start3A_77 = tpu.memref_slice %arg7[%add3A_75, %dma_start3A_76] : memref<79x128xi32, #tpu.memory_space<vmem>> -> memref<1x128xi32, #tpu.memory_space<vmem>>
        %dma_start3A_78 = tpu.memref_squeeze %dma_start3A_77 : memref<1x128xi32, #tpu.memory_space<vmem>> -> memref<128xi32, #tpu.memory_space<vmem>>
        %dma_start3A_79 = arith.constant 0 : i32
        %dma_start3A_80 = arith.constant 0 : i32
        %dma_start3A_81 = tpu.memref_slice %arg11[%dma_start3A_79, %dma_start3A_80] : memref<10240x64xf32, #tpu.memory_space<vmem_shared>> -> memref<10240x64xf32, #tpu.memory_space<vmem_shared>>
        tpu.enqueue_indirect_dma source(%dma_start3A_81 : memref<10240x64xf32, #tpu.memory_space<vmem_shared>>) target(%arg9 : memref<128x64xf32, #tpu.memory_space<vmem>>) offsets(%dma_start3A_78 : memref<128xi32, #tpu.memory_space<vmem>>) semaphore(%arg13 : memref<!tpu.dma_semaphore, #tpu.memory_space<semaphore_mem>>)
      } else {
      }
      %add3A_59 = arith.constant 1 : i32
      %add3A_60 = arith.addi %add3A_38, %add3A_59 : i32
      %add3A_61 = arith.constant 2 : i32
      %add3A_62 = arith.addi %add3A_60, %add3A_61 : i32
      %lt3A_63 = arith.constant 79 : i32
      %lt3A_64 = arith.cmpi slt, %add3A_62, %lt3A_63 : i32
      %convert_element_type3A_65 = arith.extui %lt3A_64 : i1 to i32
      %cond3A_66 = arith.constant 0 : i32
      %cond3A_67 = arith.cmpi ne, %convert_element_type3A_65, %cond3A_66 : i32
      scf.if %cond3A_67 {
        %dma_wait3A_68 = arith.constant 0 : i32
        %dma_wait3A_69 = tpu.memref_slice %arg8[%add3A_60, %dma_wait3A_68] : memref<79x128xi32, #tpu.memory_space<vmem>> -> memref<1x128xi32, #tpu.memory_space<vmem>>
        %dma_wait3A_70 = tpu.memref_squeeze %dma_wait3A_69 : memref<1x128xi32, #tpu.memory_space<vmem>> -> memref<128xi32, #tpu.memory_space<vmem>>
        %dma_wait3A_71 = arith.constant 0 : i32
        %dma_wait3A_72 = arith.constant 0 : i32
        %dma_wait3A_73 = tpu.memref_slice %arg12[%dma_wait3A_71, %dma_wait3A_72] : memref<10240x64xf32, #tpu.memory_space<vmem_shared>> -> memref<10240x64xf32, #tpu.memory_space<vmem_shared>>
        tpu.wait_indirect_dma semaphore(%arg16 : memref<!tpu.dma_semaphore, #tpu.memory_space<semaphore_mem>>) src(%arg10 : memref<128x64xf32, #tpu.memory_space<vmem>>) dst(%dma_wait3A_73 : memref<10240x64xf32, #tpu.memory_space<vmem_shared>>)
        %add3A_74 = arith.constant 2 : i32
        %add3A_75 = arith.addi %add3A_60, %add3A_74 : i32
        %dma_start3A_76 = arith.constant 0 : i32
        %dma_start3A_77 = tpu.memref_slice %arg7[%add3A_75, %dma_start3A_76] : memref<79x128xi32, #tpu.memory_space<vmem>> -> memref<1x128xi32, #tpu.memory_space<vmem>>
        %dma_start3A_78 = tpu.memref_squeeze %dma_start3A_77 : memref<1x128xi32, #tpu.memory_space<vmem>> -> memref<128xi32, #tpu.memory_space<vmem>>
        %dma_start3A_79 = arith.constant 0 : i32
        %dma_start3A_80 = arith.constant 0 : i32
        %dma_start3A_81 = tpu.memref_slice %arg11[%dma_start3A_79, %dma_start3A_80] : memref<10240x64xf32, #tpu.memory_space<vmem_shared>> -> memref<10240x64xf32, #tpu.memory_space<vmem_shared>>
        tpu.enqueue_indirect_dma source(%dma_start3A_81 : memref<10240x64xf32, #tpu.memory_space<vmem_shared>>) target(%arg10 : memref<128x64xf32, #tpu.memory_space<vmem>>) offsets(%dma_start3A_78 : memref<128xi32, #tpu.memory_space<vmem>>) semaphore(%arg14 : memref<!tpu.dma_semaphore, #tpu.memory_space<semaphore_mem>>)
      } else {
      }
    }
    %scan3A_19 = arith.constant 40 : i32
    %dma_wait3A = arith.constant 78 : i32
    %dma_wait3A_20 = arith.constant 0 : i32
    %dma_wait3A_21 = tpu.memref_slice %arg8[%dma_wait3A, %dma_wait3A_20] : memref<79x128xi32, #tpu.memory_space<vmem>> -> memref<1x128xi32, #tpu.memory_space<vmem>>
    %dma_wait3A_22 = tpu.memref_squeeze %dma_wait3A_21 : memref<1x128xi32, #tpu.memory_space<vmem>> -> memref<128xi32, #tpu.memory_space<vmem>>
    %dma_wait3A_23 = arith.constant 0 : i32
    %dma_wait3A_24 = arith.constant 0 : i32
    %dma_wait3A_25 = tpu.memref_slice %arg12[%dma_wait3A_23, %dma_wait3A_24] : memref<10240x64xf32, #tpu.memory_space<vmem_shared>> -> memref<10240x64xf32, #tpu.memory_space<vmem_shared>>
    tpu.wait_indirect_dma semaphore(%arg15 : memref<!tpu.dma_semaphore, #tpu.memory_space<semaphore_mem>>) src(%arg9 : memref<128x64xf32, #tpu.memory_space<vmem>>) dst(%dma_wait3A_25 : memref<10240x64xf32, #tpu.memory_space<vmem_shared>>)
    %dma_wait3A_26 = arith.constant 77 : i32
    %dma_wait3A_27 = arith.constant 0 : i32
    %dma_wait3A_28 = tpu.memref_slice %arg8[%dma_wait3A_26, %dma_wait3A_27] : memref<79x128xi32, #tpu.memory_space<vmem>> -> memref<1x128xi32, #tpu.memory_space<vmem>>
    %dma_wait3A_29 = tpu.memref_squeeze %dma_wait3A_28 : memref<1x128xi32, #tpu.memory_space<vmem>> -> memref<128xi32, #tpu.memory_space<vmem>>
    %dma_wait3A_30 = arith.constant 0 : i32
    %dma_wait3A_31 = arith.constant 0 : i32
    %dma_wait3A_32 = tpu.memref_slice %arg12[%dma_wait3A_30, %dma_wait3A_31] : memref<10240x64xf32, #tpu.memory_space<vmem_shared>> -> memref<10240x64xf32, #tpu.memory_space<vmem_shared>>
    tpu.wait_indirect_dma semaphore(%arg16 : memref<!tpu.dma_semaphore, #tpu.memory_space<semaphore_mem>>) src(%arg10 : memref<128x64xf32, #tpu.memory_space<vmem>>) dst(%dma_wait3A_32 : memref<10240x64xf32, #tpu.memory_space<vmem_shared>>)
    %barrier3A_33 = arith.constant 0 : index
    tpu.barrier barrier_id(%barrier3A_33)
    "tpu.region"() ({
      %run_scoped3A = tpu.sem_alloc : memref<!tpu.dma_semaphore, #tpu.memory_space<semaphore_mem>>
      %dma_start3A_34 = arith.constant 0 : i32
      %dma_start3A_35 = tpu.memref_slice %arg6[%arg0, %mul3A_2, %dma_start3A_34] : memref<2x10240x64xf32, #tpu.memory_space<hbm>> -> memref<1x640x64xf32, #tpu.memory_space<hbm>>
      %dma_start3A_36 = tpu.memref_squeeze %dma_start3A_35 : memref<1x640x64xf32, #tpu.memory_space<hbm>> -> memref<640x64xf32, #tpu.memory_space<hbm>>
      %dma_start3A_37 = arith.constant 0 : i32
      %dma_start3A_38 = tpu.memref_slice %arg12[%mul3A_2, %dma_start3A_37] : memref<10240x64xf32, #tpu.memory_space<vmem_shared>> -> memref<640x64xf32, #tpu.memory_space<vmem_shared>>
      tpu.enqueue_dma source(%dma_start3A_38 : memref<640x64xf32, #tpu.memory_space<vmem_shared>>) target(%dma_start3A_36 : memref<640x64xf32, #tpu.memory_space<hbm>>) target_semaphore(%run_scoped3A : memref<!tpu.dma_semaphore, #tpu.memory_space<semaphore_mem>>)
      %dma_wait3A_39 = arith.constant 0 : i32
      %dma_wait3A_40 = tpu.memref_slice %arg6[%arg0, %mul3A_2, %dma_wait3A_39] : memref<2x10240x64xf32, #tpu.memory_space<hbm>> -> memref<1x640x64xf32, #tpu.memory_space<hbm>>
      %dma_wait3A_41 = tpu.memref_squeeze %dma_wait3A_40 : memref<1x640x64xf32, #tpu.memory_space<hbm>> -> memref<640x64xf32, #tpu.memory_space<hbm>>
      %dma_wait3A_42 = arith.constant 0 : i32
      %dma_wait3A_43 = tpu.memref_slice %arg12[%mul3A_2, %dma_wait3A_42] : memref<10240x64xf32, #tpu.memory_space<vmem_shared>> -> memref<640x64xf32, #tpu.memory_space<vmem_shared>>
      tpu.wait_dma2 semaphore(%run_scoped3A : memref<!tpu.dma_semaphore, #tpu.memory_space<semaphore_mem>>) src(%dma_wait3A_43 : memref<640x64xf32, #tpu.memory_space<vmem_shared>>) dst(%dma_wait3A_41 : memref<640x64xf32, #tpu.memory_space<hbm>>)
      tpu.yield
    }) : () -> ()
    return
  }
}

#map = affine_map<(d0, d1) -> (0, 0, 0)>
#map1 = affine_map<(d0, d1) -> (0, 0)>
module attributes {stable_mosaic.version = 14 : i64} {
  func.func @_deg_kernel(%arg0: i32, %arg1: i32, %arg2: memref<32x79x128xi32, #tpu.memory_space<hbm>>, %arg3: memref<10240x16xf32, #tpu.memory_space<hbm>>, %arg4: memref<2x10240x16xf32, #tpu.memory_space<hbm>>, %arg5: memref<79x128xi32, #tpu.memory_space<vmem>>, %arg6: memref<128x16xf32, #tpu.memory_space<vmem>>, %arg7: memref<10240x16xf32, #tpu.memory_space<vmem_shared>>, %arg8: memref<!tpu.dma_semaphore, #tpu.memory_space<semaphore_mem>>) attributes {dimension_semantics = [#tpu.dimension_semantics<core_parallel>, #tpu.dimension_semantics<subcore_parallel>], iteration_bounds = array<i64: 2, 16>, scalar_prefetch = 0 : i64, scratch_operands = 4 : i64, tpu.core_type = #tpu.core_type<sc_vector_subcore>, window_params = [{transform_indices = #map}, {transform_indices = #map1}, {transform_indices = #map}]} {
    %mul3A = arith.constant 16 : i32
    %mul3A_0 = arith.muli %arg0, %mul3A : i32
    %add3A = arith.addi %mul3A_0, %arg1 : i32
    %iota3A = tpu.iota {dimensions = array<i32: 0>} : vector<16xi32>
    %eq3A = arith.constant 0 : i32
    %eq3A_1 = vector.broadcast %eq3A : i32 to vector<16xi32>
    %eq3A_2 = arith.cmpi eq, %iota3A, %eq3A_1 : vector<16xi32>
    %jit3A = arith.constant 1.000000e+00 : f32
    %jit3A_3 = arith.constant 0.000000e+00 : f32
    %broadcast_in_dim3A = vector.broadcast %jit3A : f32 to vector<16xf32>
    %broadcast_in_dim3A_4 = vector.broadcast %jit3A_3 : f32 to vector<16xf32>
    %select_n3A = arith.select %eq3A_2, %broadcast_in_dim3A, %broadcast_in_dim3A_4 : vector<16xi1>, vector<16xf32>
    %scan3A = arith.constant 0 : i32
    %scan3A_5 = arith.constant 128 : i32
    %scan3A_6 = arith.addi %scan3A, %scan3A_5 : i32
    %scan3A_7 = arith.constant 1 : i32
    scf.for %scan3A_17 = %scan3A to %scan3A_6 step %scan3A_7  : i32 {
      %mul3A_18 = arith.constant 1 : i32
      %mul3A_19 = arith.muli %scan3A_17, %mul3A_18 : i32
      %add3A_20 = arith.constant 0 : i32
      %add3A_21 = arith.addi %add3A_20, %mul3A_19 : i32
      %swap3A = arith.index_cast %add3A_21 : i32 to index
      %swap3A_22 = arith.constant 0 : index
      %swap3A_23 = tpu.vector_load %arg6[%swap3A, %swap3A_22] {strides = array<i32>} : memref<128x16xf32, #tpu.memory_space<vmem>>, vector<1x16xf32>,
      %swap3A_24 = vector.shape_cast %swap3A_23 : vector<1x16xf32> to vector<16xf32>
      %swap3A_25 = vector.shape_cast %select_n3A : vector<16xf32> to vector<1x16xf32>
      tpu.vector_store %arg6[%swap3A, %swap3A_22], %swap3A_25 {strides = array<i32>} : memref<128x16xf32, #tpu.memory_space<vmem>>, vector<1x16xf32>,
    }
    %scan3A_8 = arith.constant 128 : i32
    %mul3A_9 = arith.constant 640 : i32
    %mul3A_10 = arith.muli %arg1, %mul3A_9 : i32
    "tpu.region"() ({
      %run_scoped3A = tpu.sem_alloc : memref<!tpu.dma_semaphore, #tpu.memory_space<semaphore_mem>>
      %dma_start3A = arith.constant 0 : i32
      %dma_start3A_17 = tpu.memref_slice %arg7[%mul3A_10, %dma_start3A] : memref<10240x16xf32, #tpu.memory_space<vmem_shared>> -> memref<640x16xf32, #tpu.memory_space<vmem_shared>>
      %dma_start3A_18 = arith.constant 0 : i32
      %dma_start3A_19 = tpu.memref_slice %arg3[%mul3A_10, %dma_start3A_18] : memref<10240x16xf32, #tpu.memory_space<hbm>> -> memref<640x16xf32, #tpu.memory_space<hbm>>
      tpu.enqueue_dma source(%dma_start3A_19 : memref<640x16xf32, #tpu.memory_space<hbm>>) target(%dma_start3A_17 : memref<640x16xf32, #tpu.memory_space<vmem_shared>>) target_semaphore(%run_scoped3A : memref<!tpu.dma_semaphore, #tpu.memory_space<semaphore_mem>>)
      %dma_wait3A = arith.constant 0 : i32
      %dma_wait3A_20 = tpu.memref_slice %arg7[%mul3A_10, %dma_wait3A] : memref<10240x16xf32, #tpu.memory_space<vmem_shared>> -> memref<640x16xf32, #tpu.memory_space<vmem_shared>>
      %dma_wait3A_21 = arith.constant 0 : i32
      %dma_wait3A_22 = tpu.memref_slice %arg3[%mul3A_10, %dma_wait3A_21] : memref<10240x16xf32, #tpu.memory_space<hbm>> -> memref<640x16xf32, #tpu.memory_space<hbm>>
      tpu.wait_dma2 semaphore(%run_scoped3A : memref<!tpu.dma_semaphore, #tpu.memory_space<semaphore_mem>>) src(%dma_wait3A_22 : memref<640x16xf32, #tpu.memory_space<hbm>>) dst(%dma_wait3A_20 : memref<640x16xf32, #tpu.memory_space<vmem_shared>>)
      tpu.yield
    }) : () -> ()
    "tpu.region"() ({
      %run_scoped3A = tpu.sem_alloc : memref<!tpu.dma_semaphore, #tpu.memory_space<semaphore_mem>>
      %dma_start3A = arith.constant 0 : i32
      %dma_start3A_17 = arith.constant 0 : i32
      %dma_start3A_18 = tpu.memref_slice %arg2[%add3A, %dma_start3A, %dma_start3A_17] : memref<32x79x128xi32, #tpu.memory_space<hbm>> -> memref<1x79x128xi32, #tpu.memory_space<hbm>>
      %dma_start3A_19 = tpu.memref_squeeze %dma_start3A_18 : memref<1x79x128xi32, #tpu.memory_space<hbm>> -> memref<79x128xi32, #tpu.memory_space<hbm>>
      %dma_start3A_20 = arith.constant 0 : i32
      %dma_start3A_21 = arith.constant 0 : i32
      %dma_start3A_22 = tpu.memref_slice %arg2[%add3A, %dma_start3A_20, %dma_start3A_21] : memref<32x79x128xi32, #tpu.memory_space<hbm>> -> memref<1x79x128xi32, #tpu.memory_space<hbm>>
      %dma_start3A_23 = tpu.memref_squeeze %dma_start3A_22 : memref<1x79x128xi32, #tpu.memory_space<hbm>> -> memref<79x128xi32, #tpu.memory_space<hbm>>
      tpu.enqueue_dma source(%dma_start3A_23 : memref<79x128xi32, #tpu.memory_space<hbm>>) target(%arg5 : memref<79x128xi32, #tpu.memory_space<vmem>>) target_semaphore(%run_scoped3A : memref<!tpu.dma_semaphore, #tpu.memory_space<semaphore_mem>>)
      %dma_wait3A = arith.constant 0 : i32
      %dma_wait3A_24 = arith.constant 0 : i32
      %dma_wait3A_25 = tpu.memref_slice %arg2[%add3A, %dma_wait3A, %dma_wait3A_24] : memref<32x79x128xi32, #tpu.memory_space<hbm>> -> memref<1x79x128xi32, #tpu.memory_space<hbm>>
      %dma_wait3A_26 = tpu.memref_squeeze %dma_wait3A_25 : memref<1x79x128xi32, #tpu.memory_space<hbm>> -> memref<79x128xi32, #tpu.memory_space<hbm>>
      %dma_wait3A_27 = arith.constant 0 : i32
      %dma_wait3A_28 = arith.constant 0 : i32
      %dma_wait3A_29 = tpu.memref_slice %arg2[%add3A, %dma_wait3A_27, %dma_wait3A_28] : memref<32x79x128xi32, #tpu.memory_space<hbm>> -> memref<1x79x128xi32, #tpu.memory_space<hbm>>
      %dma_wait3A_30 = tpu.memref_squeeze %dma_wait3A_29 : memref<1x79x128xi32, #tpu.memory_space<hbm>> -> memref<79x128xi32, #tpu.memory_space<hbm>>
      tpu.wait_dma2 semaphore(%run_scoped3A : memref<!tpu.dma_semaphore, #tpu.memory_space<semaphore_mem>>) src(%dma_wait3A_30 : memref<79x128xi32, #tpu.memory_space<hbm>>) dst(%arg5 : memref<79x128xi32, #tpu.memory_space<vmem>>)
      tpu.yield
    }) : () -> ()
    %barrier3A = arith.constant 0 : index
    tpu.barrier barrier_id(%barrier3A)
    %scan3A_11 = arith.constant 0 : i32
    %scan3A_12 = arith.constant 10 : i32
    %scan3A_13 = arith.addi %scan3A_11, %scan3A_12 : i32
    %scan3A_14 = arith.constant 1 : i32
    scf.for %scan3A_17 = %scan3A_11 to %scan3A_13 step %scan3A_14  : i32 {
      %mul3A_18 = arith.constant 8 : i32
      %mul3A_19 = arith.muli %scan3A_17, %mul3A_18 : i32
      %add3A_20 = arith.constant 0 : i32
      %add3A_21 = arith.addi %add3A_20, %mul3A_19 : i32
      %add3A_22 = arith.constant 0 : i32
      %add3A_23 = arith.addi %add3A_21, %add3A_22 : i32
      %lt3A = arith.constant 79 : i32
      %lt3A_24 = arith.cmpi slt, %add3A_23, %lt3A : i32
      %convert_element_type3A = arith.extui %lt3A_24 : i1 to i32
      %cond3A = arith.constant 0 : i32
      %cond3A_25 = arith.cmpi ne, %convert_element_type3A, %cond3A : i32
      scf.if %cond3A_25 {
        %add3A_131 = arith.constant 0 : i32
        %add3A_132 = arith.addi %add3A_21, %add3A_131 : i32
        %dma_start3A = arith.constant 0 : i32
        %dma_start3A_133 = tpu.memref_slice %arg5[%add3A_132, %dma_start3A] : memref<79x128xi32, #tpu.memory_space<vmem>> -> memref<1x128xi32, #tpu.memory_space<vmem>>
        %dma_start3A_134 = tpu.memref_squeeze %dma_start3A_133 : memref<1x128xi32, #tpu.memory_space<vmem>> -> memref<128xi32, #tpu.memory_space<vmem>>
        %dma_start3A_135 = arith.constant 0 : i32
        %dma_start3A_136 = arith.constant 0 : i32
        %dma_start3A_137 = tpu.memref_slice %arg7[%dma_start3A_135, %dma_start3A_136] : memref<10240x16xf32, #tpu.memory_space<vmem_shared>> -> memref<10240x16xf32, #tpu.memory_space<vmem_shared>>
        tpu.enqueue_indirect_dma source(%arg6 : memref<128x16xf32, #tpu.memory_space<vmem>>) target(%dma_start3A_137 : memref<10240x16xf32, #tpu.memory_space<vmem_shared>>) offsets(%dma_start3A_134 : memref<128xi32, #tpu.memory_space<vmem>>) semaphore(%arg8 : memref<!tpu.dma_semaphore, #tpu.memory_space<semaphore_mem>>) {add = true}
      } else {
      }
      %add3A_26 = arith.constant 1 : i32
      %add3A_27 = arith.addi %add3A_21, %add3A_26 : i32
      %lt3A_28 = arith.constant 79 : i32
      %lt3A_29 = arith.cmpi slt, %add3A_27, %lt3A_28 : i32
      %convert_element_type3A_30 = arith.extui %lt3A_29 : i1 to i32
      %cond3A_31 = arith.constant 0 : i32
      %cond3A_32 = arith.cmpi ne, %convert_element_type3A_30, %cond3A_31 : i32
      scf.if %cond3A_32 {
        %add3A_131 = arith.constant 1 : i32
        %add3A_132 = arith.addi %add3A_21, %add3A_131 : i32
        %dma_start3A = arith.constant 0 : i32
        %dma_start3A_133 = tpu.memref_slice %arg5[%add3A_132, %dma_start3A] : memref<79x128xi32, #tpu.memory_space<vmem>> -> memref<1x128xi32, #tpu.memory_space<vmem>>
        %dma_start3A_134 = tpu.memref_squeeze %dma_start3A_133 : memref<1x128xi32, #tpu.memory_space<vmem>> -> memref<128xi32, #tpu.memory_space<vmem>>
        %dma_start3A_135 = arith.constant 0 : i32
        %dma_start3A_136 = arith.constant 0 : i32
        %dma_start3A_137 = tpu.memref_slice %arg7[%dma_start3A_135, %dma_start3A_136] : memref<10240x16xf32, #tpu.memory_space<vmem_shared>> -> memref<10240x16xf32, #tpu.memory_space<vmem_shared>>
        tpu.enqueue_indirect_dma source(%arg6 : memref<128x16xf32, #tpu.memory_space<vmem>>) target(%dma_start3A_137 : memref<10240x16xf32, #tpu.memory_space<vmem_shared>>) offsets(%dma_start3A_134 : memref<128xi32, #tpu.memory_space<vmem>>) semaphore(%arg8 : memref<!tpu.dma_semaphore, #tpu.memory_space<semaphore_mem>>) {add = true}
      } else {
      }
      %add3A_33 = arith.constant 2 : i32
      %add3A_34 = arith.addi %add3A_21, %add3A_33 : i32
      %lt3A_35 = arith.constant 79 : i32
      %lt3A_36 = arith.cmpi slt, %add3A_34, %lt3A_35 : i32
      %convert_element_type3A_37 = arith.extui %lt3A_36 : i1 to i32
      %cond3A_38 = arith.constant 0 : i32
      %cond3A_39 = arith.cmpi ne, %convert_element_type3A_37, %cond3A_38 : i32
      scf.if %cond3A_39 {
        %add3A_131 = arith.constant 2 : i32
        %add3A_132 = arith.addi %add3A_21, %add3A_131 : i32
        %dma_start3A = arith.constant 0 : i32
        %dma_start3A_133 = tpu.memref_slice %arg5[%add3A_132, %dma_start3A] : memref<79x128xi32, #tpu.memory_space<vmem>> -> memref<1x128xi32, #tpu.memory_space<vmem>>
        %dma_start3A_134 = tpu.memref_squeeze %dma_start3A_133 : memref<1x128xi32, #tpu.memory_space<vmem>> -> memref<128xi32, #tpu.memory_space<vmem>>
        %dma_start3A_135 = arith.constant 0 : i32
        %dma_start3A_136 = arith.constant 0 : i32
        %dma_start3A_137 = tpu.memref_slice %arg7[%dma_start3A_135, %dma_start3A_136] : memref<10240x16xf32, #tpu.memory_space<vmem_shared>> -> memref<10240x16xf32, #tpu.memory_space<vmem_shared>>
        tpu.enqueue_indirect_dma source(%arg6 : memref<128x16xf32, #tpu.memory_space<vmem>>) target(%dma_start3A_137 : memref<10240x16xf32, #tpu.memory_space<vmem_shared>>) offsets(%dma_start3A_134 : memref<128xi32, #tpu.memory_space<vmem>>) semaphore(%arg8 : memref<!tpu.dma_semaphore, #tpu.memory_space<semaphore_mem>>) {add = true}
      } else {
      }
      %add3A_40 = arith.constant 3 : i32
      %add3A_41 = arith.addi %add3A_21, %add3A_40 : i32
      %lt3A_42 = arith.constant 79 : i32
      %lt3A_43 = arith.cmpi slt, %add3A_41, %lt3A_42 : i32
      %convert_element_type3A_44 = arith.extui %lt3A_43 : i1 to i32
      %cond3A_45 = arith.constant 0 : i32
      %cond3A_46 = arith.cmpi ne, %convert_element_type3A_44, %cond3A_45 : i32
      scf.if %cond3A_46 {
        %add3A_131 = arith.constant 3 : i32
        %add3A_132 = arith.addi %add3A_21, %add3A_131 : i32
        %dma_start3A = arith.constant 0 : i32
        %dma_start3A_133 = tpu.memref_slice %arg5[%add3A_132, %dma_start3A] : memref<79x128xi32, #tpu.memory_space<vmem>> -> memref<1x128xi32, #tpu.memory_space<vmem>>
        %dma_start3A_134 = tpu.memref_squeeze %dma_start3A_133 : memref<1x128xi32, #tpu.memory_space<vmem>> -> memref<128xi32, #tpu.memory_space<vmem>>
        %dma_start3A_135 = arith.constant 0 : i32
        %dma_start3A_136 = arith.constant 0 : i32
        %dma_start3A_137 = tpu.memref_slice %arg7[%dma_start3A_135, %dma_start3A_136] : memref<10240x16xf32, #tpu.memory_space<vmem_shared>> -> memref<10240x16xf32, #tpu.memory_space<vmem_shared>>
        tpu.enqueue_indirect_dma source(%arg6 : memref<128x16xf32, #tpu.memory_space<vmem>>) target(%dma_start3A_137 : memref<10240x16xf32, #tpu.memory_space<vmem_shared>>) offsets(%dma_start3A_134 : memref<128xi32, #tpu.memory_space<vmem>>) semaphore(%arg8 : memref<!tpu.dma_semaphore, #tpu.memory_space<semaphore_mem>>) {add = true}
      } else {
      }
      %add3A_47 = arith.constant 4 : i32
      %add3A_48 = arith.addi %add3A_21, %add3A_47 : i32
      %lt3A_49 = arith.constant 79 : i32
      %lt3A_50 = arith.cmpi slt, %add3A_48, %lt3A_49 : i32
      %convert_element_type3A_51 = arith.extui %lt3A_50 : i1 to i32
      %cond3A_52 = arith.constant 0 : i32
      %cond3A_53 = arith.cmpi ne, %convert_element_type3A_51, %cond3A_52 : i32
      scf.if %cond3A_53 {
        %add3A_131 = arith.constant 4 : i32
        %add3A_132 = arith.addi %add3A_21, %add3A_131 : i32
        %dma_start3A = arith.constant 0 : i32
        %dma_start3A_133 = tpu.memref_slice %arg5[%add3A_132, %dma_start3A] : memref<79x128xi32, #tpu.memory_space<vmem>> -> memref<1x128xi32, #tpu.memory_space<vmem>>
        %dma_start3A_134 = tpu.memref_squeeze %dma_start3A_133 : memref<1x128xi32, #tpu.memory_space<vmem>> -> memref<128xi32, #tpu.memory_space<vmem>>
        %dma_start3A_135 = arith.constant 0 : i32
        %dma_start3A_136 = arith.constant 0 : i32
        %dma_start3A_137 = tpu.memref_slice %arg7[%dma_start3A_135, %dma_start3A_136] : memref<10240x16xf32, #tpu.memory_space<vmem_shared>> -> memref<10240x16xf32, #tpu.memory_space<vmem_shared>>
        tpu.enqueue_indirect_dma source(%arg6 : memref<128x16xf32, #tpu.memory_space<vmem>>) target(%dma_start3A_137 : memref<10240x16xf32, #tpu.memory_space<vmem_shared>>) offsets(%dma_start3A_134 : memref<128xi32, #tpu.memory_space<vmem>>) semaphore(%arg8 : memref<!tpu.dma_semaphore, #tpu.memory_space<semaphore_mem>>) {add = true}
      } else {
      }
      %add3A_54 = arith.constant 5 : i32
      %add3A_55 = arith.addi %add3A_21, %add3A_54 : i32
      %lt3A_56 = arith.constant 79 : i32
      %lt3A_57 = arith.cmpi slt, %add3A_55, %lt3A_56 : i32
      %convert_element_type3A_58 = arith.extui %lt3A_57 : i1 to i32
      %cond3A_59 = arith.constant 0 : i32
      %cond3A_60 = arith.cmpi ne, %convert_element_type3A_58, %cond3A_59 : i32
      scf.if %cond3A_60 {
        %add3A_131 = arith.constant 5 : i32
        %add3A_132 = arith.addi %add3A_21, %add3A_131 : i32
        %dma_start3A = arith.constant 0 : i32
        %dma_start3A_133 = tpu.memref_slice %arg5[%add3A_132, %dma_start3A] : memref<79x128xi32, #tpu.memory_space<vmem>> -> memref<1x128xi32, #tpu.memory_space<vmem>>
        %dma_start3A_134 = tpu.memref_squeeze %dma_start3A_133 : memref<1x128xi32, #tpu.memory_space<vmem>> -> memref<128xi32, #tpu.memory_space<vmem>>
        %dma_start3A_135 = arith.constant 0 : i32
        %dma_start3A_136 = arith.constant 0 : i32
        %dma_start3A_137 = tpu.memref_slice %arg7[%dma_start3A_135, %dma_start3A_136] : memref<10240x16xf32, #tpu.memory_space<vmem_shared>> -> memref<10240x16xf32, #tpu.memory_space<vmem_shared>>
        tpu.enqueue_indirect_dma source(%arg6 : memref<128x16xf32, #tpu.memory_space<vmem>>) target(%dma_start3A_137 : memref<10240x16xf32, #tpu.memory_space<vmem_shared>>) offsets(%dma_start3A_134 : memref<128xi32, #tpu.memory_space<vmem>>) semaphore(%arg8 : memref<!tpu.dma_semaphore, #tpu.memory_space<semaphore_mem>>) {add = true}
      } else {
      }
      %add3A_61 = arith.constant 6 : i32
      %add3A_62 = arith.addi %add3A_21, %add3A_61 : i32
      %lt3A_63 = arith.constant 79 : i32
      %lt3A_64 = arith.cmpi slt, %add3A_62, %lt3A_63 : i32
      %convert_element_type3A_65 = arith.extui %lt3A_64 : i1 to i32
      %cond3A_66 = arith.constant 0 : i32
      %cond3A_67 = arith.cmpi ne, %convert_element_type3A_65, %cond3A_66 : i32
      scf.if %cond3A_67 {
        %add3A_131 = arith.constant 6 : i32
        %add3A_132 = arith.addi %add3A_21, %add3A_131 : i32
        %dma_start3A = arith.constant 0 : i32
        %dma_start3A_133 = tpu.memref_slice %arg5[%add3A_132, %dma_start3A] : memref<79x128xi32, #tpu.memory_space<vmem>> -> memref<1x128xi32, #tpu.memory_space<vmem>>
        %dma_start3A_134 = tpu.memref_squeeze %dma_start3A_133 : memref<1x128xi32, #tpu.memory_space<vmem>> -> memref<128xi32, #tpu.memory_space<vmem>>
        %dma_start3A_135 = arith.constant 0 : i32
        %dma_start3A_136 = arith.constant 0 : i32
        %dma_start3A_137 = tpu.memref_slice %arg7[%dma_start3A_135, %dma_start3A_136] : memref<10240x16xf32, #tpu.memory_space<vmem_shared>> -> memref<10240x16xf32, #tpu.memory_space<vmem_shared>>
        tpu.enqueue_indirect_dma source(%arg6 : memref<128x16xf32, #tpu.memory_space<vmem>>) target(%dma_start3A_137 : memref<10240x16xf32, #tpu.memory_space<vmem_shared>>) offsets(%dma_start3A_134 : memref<128xi32, #tpu.memory_space<vmem>>) semaphore(%arg8 : memref<!tpu.dma_semaphore, #tpu.memory_space<semaphore_mem>>) {add = true}
      } else {
      }
      %add3A_68 = arith.constant 7 : i32
      %add3A_69 = arith.addi %add3A_21, %add3A_68 : i32
      %lt3A_70 = arith.constant 79 : i32
      %lt3A_71 = arith.cmpi slt, %add3A_69, %lt3A_70 : i32
      %convert_element_type3A_72 = arith.extui %lt3A_71 : i1 to i32
      %cond3A_73 = arith.constant 0 : i32
      %cond3A_74 = arith.cmpi ne, %convert_element_type3A_72, %cond3A_73 : i32
      scf.if %cond3A_74 {
        %add3A_131 = arith.constant 7 : i32
        %add3A_132 = arith.addi %add3A_21, %add3A_131 : i32
        %dma_start3A = arith.constant 0 : i32
        %dma_start3A_133 = tpu.memref_slice %arg5[%add3A_132, %dma_start3A] : memref<79x128xi32, #tpu.memory_space<vmem>> -> memref<1x128xi32, #tpu.memory_space<vmem>>
        %dma_start3A_134 = tpu.memref_squeeze %dma_start3A_133 : memref<1x128xi32, #tpu.memory_space<vmem>> -> memref<128xi32, #tpu.memory_space<vmem>>
        %dma_start3A_135 = arith.constant 0 : i32
        %dma_start3A_136 = arith.constant 0 : i32
        %dma_start3A_137 = tpu.memref_slice %arg7[%dma_start3A_135, %dma_start3A_136] : memref<10240x16xf32, #tpu.memory_space<vmem_shared>> -> memref<10240x16xf32, #tpu.memory_space<vmem_shared>>
        tpu.enqueue_indirect_dma source(%arg6 : memref<128x16xf32, #tpu.memory_space<vmem>>) target(%dma_start3A_137 : memref<10240x16xf32, #tpu.memory_space<vmem_shared>>) offsets(%dma_start3A_134 : memref<128xi32, #tpu.memory_space<vmem>>) semaphore(%arg8 : memref<!tpu.dma_semaphore, #tpu.memory_space<semaphore_mem>>) {add = true}
      } else {
      }
      %add3A_75 = arith.constant 0 : i32
      %add3A_76 = arith.addi %add3A_21, %add3A_75 : i32
      %lt3A_77 = arith.constant 79 : i32
      %lt3A_78 = arith.cmpi slt, %add3A_76, %lt3A_77 : i32
      %convert_element_type3A_79 = arith.extui %lt3A_78 : i1 to i32
      %cond3A_80 = arith.constant 0 : i32
      %cond3A_81 = arith.cmpi ne, %convert_element_type3A_79, %cond3A_80 : i32
      scf.if %cond3A_81 {
        %add3A_131 = arith.constant 0 : i32
        %add3A_132 = arith.addi %add3A_21, %add3A_131 : i32
        %dma_wait3A = arith.constant 0 : i32
        %dma_wait3A_133 = tpu.memref_slice %arg5[%add3A_132, %dma_wait3A] : memref<79x128xi32, #tpu.memory_space<vmem>> -> memref<1x128xi32, #tpu.memory_space<vmem>>
        %dma_wait3A_134 = tpu.memref_squeeze %dma_wait3A_133 : memref<1x128xi32, #tpu.memory_space<vmem>> -> memref<128xi32, #tpu.memory_space<vmem>>
        %dma_wait3A_135 = arith.constant 0 : i32
        %dma_wait3A_136 = arith.constant 0 : i32
        %dma_wait3A_137 = tpu.memref_slice %arg7[%dma_wait3A_135, %dma_wait3A_136] : memref<10240x16xf32, #tpu.memory_space<vmem_shared>> -> memref<10240x16xf32, #tpu.memory_space<vmem_shared>>
        tpu.wait_indirect_dma semaphore(%arg8 : memref<!tpu.dma_semaphore, #tpu.memory_space<semaphore_mem>>) src(%arg6 : memref<128x16xf32, #tpu.memory_space<vmem>>) dst(%dma_wait3A_137 : memref<10240x16xf32, #tpu.memory_space<vmem_shared>>)
      } else {
      }
      %add3A_82 = arith.constant 1 : i32
      %add3A_83 = arith.addi %add3A_21, %add3A_82 : i32
      %lt3A_84 = arith.constant 79 : i32
      %lt3A_85 = arith.cmpi slt, %add3A_83, %lt3A_84 : i32
      %convert_element_type3A_86 = arith.extui %lt3A_85 : i1 to i32
      %cond3A_87 = arith.constant 0 : i32
      %cond3A_88 = arith.cmpi ne, %convert_element_type3A_86, %cond3A_87 : i32
      scf.if %cond3A_88 {
        %add3A_131 = arith.constant 1 : i32
        %add3A_132 = arith.addi %add3A_21, %add3A_131 : i32
        %dma_wait3A = arith.constant 0 : i32
        %dma_wait3A_133 = tpu.memref_slice %arg5[%add3A_132, %dma_wait3A] : memref<79x128xi32, #tpu.memory_space<vmem>> -> memref<1x128xi32, #tpu.memory_space<vmem>>
        %dma_wait3A_134 = tpu.memref_squeeze %dma_wait3A_133 : memref<1x128xi32, #tpu.memory_space<vmem>> -> memref<128xi32, #tpu.memory_space<vmem>>
        %dma_wait3A_135 = arith.constant 0 : i32
        %dma_wait3A_136 = arith.constant 0 : i32
        %dma_wait3A_137 = tpu.memref_slice %arg7[%dma_wait3A_135, %dma_wait3A_136] : memref<10240x16xf32, #tpu.memory_space<vmem_shared>> -> memref<10240x16xf32, #tpu.memory_space<vmem_shared>>
        tpu.wait_indirect_dma semaphore(%arg8 : memref<!tpu.dma_semaphore, #tpu.memory_space<semaphore_mem>>) src(%arg6 : memref<128x16xf32, #tpu.memory_space<vmem>>) dst(%dma_wait3A_137 : memref<10240x16xf32, #tpu.memory_space<vmem_shared>>)
      } else {
      }
      %add3A_89 = arith.constant 2 : i32
      %add3A_90 = arith.addi %add3A_21, %add3A_89 : i32
      %lt3A_91 = arith.constant 79 : i32
      %lt3A_92 = arith.cmpi slt, %add3A_90, %lt3A_91 : i32
      %convert_element_type3A_93 = arith.extui %lt3A_92 : i1 to i32
      %cond3A_94 = arith.constant 0 : i32
      %cond3A_95 = arith.cmpi ne, %convert_element_type3A_93, %cond3A_94 : i32
      scf.if %cond3A_95 {
        %add3A_131 = arith.constant 2 : i32
        %add3A_132 = arith.addi %add3A_21, %add3A_131 : i32
        %dma_wait3A = arith.constant 0 : i32
        %dma_wait3A_133 = tpu.memref_slice %arg5[%add3A_132, %dma_wait3A] : memref<79x128xi32, #tpu.memory_space<vmem>> -> memref<1x128xi32, #tpu.memory_space<vmem>>
        %dma_wait3A_134 = tpu.memref_squeeze %dma_wait3A_133 : memref<1x128xi32, #tpu.memory_space<vmem>> -> memref<128xi32, #tpu.memory_space<vmem>>
        %dma_wait3A_135 = arith.constant 0 : i32
        %dma_wait3A_136 = arith.constant 0 : i32
        %dma_wait3A_137 = tpu.memref_slice %arg7[%dma_wait3A_135, %dma_wait3A_136] : memref<10240x16xf32, #tpu.memory_space<vmem_shared>> -> memref<10240x16xf32, #tpu.memory_space<vmem_shared>>
        tpu.wait_indirect_dma semaphore(%arg8 : memref<!tpu.dma_semaphore, #tpu.memory_space<semaphore_mem>>) src(%arg6 : memref<128x16xf32, #tpu.memory_space<vmem>>) dst(%dma_wait3A_137 : memref<10240x16xf32, #tpu.memory_space<vmem_shared>>)
      } else {
      }
      %add3A_96 = arith.constant 3 : i32
      %add3A_97 = arith.addi %add3A_21, %add3A_96 : i32
      %lt3A_98 = arith.constant 79 : i32
      %lt3A_99 = arith.cmpi slt, %add3A_97, %lt3A_98 : i32
      %convert_element_type3A_100 = arith.extui %lt3A_99 : i1 to i32
      %cond3A_101 = arith.constant 0 : i32
      %cond3A_102 = arith.cmpi ne, %convert_element_type3A_100, %cond3A_101 : i32
      scf.if %cond3A_102 {
        %add3A_131 = arith.constant 3 : i32
        %add3A_132 = arith.addi %add3A_21, %add3A_131 : i32
        %dma_wait3A = arith.constant 0 : i32
        %dma_wait3A_133 = tpu.memref_slice %arg5[%add3A_132, %dma_wait3A] : memref<79x128xi32, #tpu.memory_space<vmem>> -> memref<1x128xi32, #tpu.memory_space<vmem>>
        %dma_wait3A_134 = tpu.memref_squeeze %dma_wait3A_133 : memref<1x128xi32, #tpu.memory_space<vmem>> -> memref<128xi32, #tpu.memory_space<vmem>>
        %dma_wait3A_135 = arith.constant 0 : i32
        %dma_wait3A_136 = arith.constant 0 : i32
        %dma_wait3A_137 = tpu.memref_slice %arg7[%dma_wait3A_135, %dma_wait3A_136] : memref<10240x16xf32, #tpu.memory_space<vmem_shared>> -> memref<10240x16xf32, #tpu.memory_space<vmem_shared>>
        tpu.wait_indirect_dma semaphore(%arg8 : memref<!tpu.dma_semaphore, #tpu.memory_space<semaphore_mem>>) src(%arg6 : memref<128x16xf32, #tpu.memory_space<vmem>>) dst(%dma_wait3A_137 : memref<10240x16xf32, #tpu.memory_space<vmem_shared>>)
      } else {
      }
      %add3A_103 = arith.constant 4 : i32
      %add3A_104 = arith.addi %add3A_21, %add3A_103 : i32
      %lt3A_105 = arith.constant 79 : i32
      %lt3A_106 = arith.cmpi slt, %add3A_104, %lt3A_105 : i32
      %convert_element_type3A_107 = arith.extui %lt3A_106 : i1 to i32
      %cond3A_108 = arith.constant 0 : i32
      %cond3A_109 = arith.cmpi ne, %convert_element_type3A_107, %cond3A_108 : i32
      scf.if %cond3A_109 {
        %add3A_131 = arith.constant 4 : i32
        %add3A_132 = arith.addi %add3A_21, %add3A_131 : i32
        %dma_wait3A = arith.constant 0 : i32
        %dma_wait3A_133 = tpu.memref_slice %arg5[%add3A_132, %dma_wait3A] : memref<79x128xi32, #tpu.memory_space<vmem>> -> memref<1x128xi32, #tpu.memory_space<vmem>>
        %dma_wait3A_134 = tpu.memref_squeeze %dma_wait3A_133 : memref<1x128xi32, #tpu.memory_space<vmem>> -> memref<128xi32, #tpu.memory_space<vmem>>
        %dma_wait3A_135 = arith.constant 0 : i32
        %dma_wait3A_136 = arith.constant 0 : i32
        %dma_wait3A_137 = tpu.memref_slice %arg7[%dma_wait3A_135, %dma_wait3A_136] : memref<10240x16xf32, #tpu.memory_space<vmem_shared>> -> memref<10240x16xf32, #tpu.memory_space<vmem_shared>>
        tpu.wait_indirect_dma semaphore(%arg8 : memref<!tpu.dma_semaphore, #tpu.memory_space<semaphore_mem>>) src(%arg6 : memref<128x16xf32, #tpu.memory_space<vmem>>) dst(%dma_wait3A_137 : memref<10240x16xf32, #tpu.memory_space<vmem_shared>>)
      } else {
      }
      %add3A_110 = arith.constant 5 : i32
      %add3A_111 = arith.addi %add3A_21, %add3A_110 : i32
      %lt3A_112 = arith.constant 79 : i32
      %lt3A_113 = arith.cmpi slt, %add3A_111, %lt3A_112 : i32
      %convert_element_type3A_114 = arith.extui %lt3A_113 : i1 to i32
      %cond3A_115 = arith.constant 0 : i32
      %cond3A_116 = arith.cmpi ne, %convert_element_type3A_114, %cond3A_115 : i32
      scf.if %cond3A_116 {
        %add3A_131 = arith.constant 5 : i32
        %add3A_132 = arith.addi %add3A_21, %add3A_131 : i32
        %dma_wait3A = arith.constant 0 : i32
        %dma_wait3A_133 = tpu.memref_slice %arg5[%add3A_132, %dma_wait3A] : memref<79x128xi32, #tpu.memory_space<vmem>> -> memref<1x128xi32, #tpu.memory_space<vmem>>
        %dma_wait3A_134 = tpu.memref_squeeze %dma_wait3A_133 : memref<1x128xi32, #tpu.memory_space<vmem>> -> memref<128xi32, #tpu.memory_space<vmem>>
        %dma_wait3A_135 = arith.constant 0 : i32
        %dma_wait3A_136 = arith.constant 0 : i32
        %dma_wait3A_137 = tpu.memref_slice %arg7[%dma_wait3A_135, %dma_wait3A_136] : memref<10240x16xf32, #tpu.memory_space<vmem_shared>> -> memref<10240x16xf32, #tpu.memory_space<vmem_shared>>
        tpu.wait_indirect_dma semaphore(%arg8 : memref<!tpu.dma_semaphore, #tpu.memory_space<semaphore_mem>>) src(%arg6 : memref<128x16xf32, #tpu.memory_space<vmem>>) dst(%dma_wait3A_137 : memref<10240x16xf32, #tpu.memory_space<vmem_shared>>)
      } else {
      }
      %add3A_117 = arith.constant 6 : i32
      %add3A_118 = arith.addi %add3A_21, %add3A_117 : i32
      %lt3A_119 = arith.constant 79 : i32
      %lt3A_120 = arith.cmpi slt, %add3A_118, %lt3A_119 : i32
      %convert_element_type3A_121 = arith.extui %lt3A_120 : i1 to i32
      %cond3A_122 = arith.constant 0 : i32
      %cond3A_123 = arith.cmpi ne, %convert_element_type3A_121, %cond3A_122 : i32
      scf.if %cond3A_123 {
        %add3A_131 = arith.constant 6 : i32
        %add3A_132 = arith.addi %add3A_21, %add3A_131 : i32
        %dma_wait3A = arith.constant 0 : i32
        %dma_wait3A_133 = tpu.memref_slice %arg5[%add3A_132, %dma_wait3A] : memref<79x128xi32, #tpu.memory_space<vmem>> -> memref<1x128xi32, #tpu.memory_space<vmem>>
        %dma_wait3A_134 = tpu.memref_squeeze %dma_wait3A_133 : memref<1x128xi32, #tpu.memory_space<vmem>> -> memref<128xi32, #tpu.memory_space<vmem>>
        %dma_wait3A_135 = arith.constant 0 : i32
        %dma_wait3A_136 = arith.constant 0 : i32
        %dma_wait3A_137 = tpu.memref_slice %arg7[%dma_wait3A_135, %dma_wait3A_136] : memref<10240x16xf32, #tpu.memory_space<vmem_shared>> -> memref<10240x16xf32, #tpu.memory_space<vmem_shared>>
        tpu.wait_indirect_dma semaphore(%arg8 : memref<!tpu.dma_semaphore, #tpu.memory_space<semaphore_mem>>) src(%arg6 : memref<128x16xf32, #tpu.memory_space<vmem>>) dst(%dma_wait3A_137 : memref<10240x16xf32, #tpu.memory_space<vmem_shared>>)
      } else {
      }
      %add3A_124 = arith.constant 7 : i32
      %add3A_125 = arith.addi %add3A_21, %add3A_124 : i32
      %lt3A_126 = arith.constant 79 : i32
      %lt3A_127 = arith.cmpi slt, %add3A_125, %lt3A_126 : i32
      %convert_element_type3A_128 = arith.extui %lt3A_127 : i1 to i32
      %cond3A_129 = arith.constant 0 : i32
      %cond3A_130 = arith.cmpi ne, %convert_element_type3A_128, %cond3A_129 : i32
      scf.if %cond3A_130 {
        %add3A_131 = arith.constant 7 : i32
        %add3A_132 = arith.addi %add3A_21, %add3A_131 : i32
        %dma_wait3A = arith.constant 0 : i32
        %dma_wait3A_133 = tpu.memref_slice %arg5[%add3A_132, %dma_wait3A] : memref<79x128xi32, #tpu.memory_space<vmem>> -> memref<1x128xi32, #tpu.memory_space<vmem>>
        %dma_wait3A_134 = tpu.memref_squeeze %dma_wait3A_133 : memref<1x128xi32, #tpu.memory_space<vmem>> -> memref<128xi32, #tpu.memory_space<vmem>>
        %dma_wait3A_135 = arith.constant 0 : i32
        %dma_wait3A_136 = arith.constant 0 : i32
        %dma_wait3A_137 = tpu.memref_slice %arg7[%dma_wait3A_135, %dma_wait3A_136] : memref<10240x16xf32, #tpu.memory_space<vmem_shared>> -> memref<10240x16xf32, #tpu.memory_space<vmem_shared>>
        tpu.wait_indirect_dma semaphore(%arg8 : memref<!tpu.dma_semaphore, #tpu.memory_space<semaphore_mem>>) src(%arg6 : memref<128x16xf32, #tpu.memory_space<vmem>>) dst(%dma_wait3A_137 : memref<10240x16xf32, #tpu.memory_space<vmem_shared>>)
      } else {
      }
    }
    %scan3A_15 = arith.constant 10 : i32
    %barrier3A_16 = arith.constant 0 : index
    tpu.barrier barrier_id(%barrier3A_16)
    "tpu.region"() ({
      %run_scoped3A = tpu.sem_alloc : memref<!tpu.dma_semaphore, #tpu.memory_space<semaphore_mem>>
      %dma_start3A = arith.constant 0 : i32
      %dma_start3A_17 = tpu.memref_slice %arg4[%arg0, %mul3A_10, %dma_start3A] : memref<2x10240x16xf32, #tpu.memory_space<hbm>> -> memref<1x640x16xf32, #tpu.memory_space<hbm>>
      %dma_start3A_18 = tpu.memref_squeeze %dma_start3A_17 : memref<1x640x16xf32, #tpu.memory_space<hbm>> -> memref<640x16xf32, #tpu.memory_space<hbm>>
      %dma_start3A_19 = arith.constant 0 : i32
      %dma_start3A_20 = tpu.memref_slice %arg7[%mul3A_10, %dma_start3A_19] : memref<10240x16xf32, #tpu.memory_space<vmem_shared>> -> memref<640x16xf32, #tpu.memory_space<vmem_shared>>
      tpu.enqueue_dma source(%dma_start3A_20 : memref<640x16xf32, #tpu.memory_space<vmem_shared>>) target(%dma_start3A_18 : memref<640x16xf32, #tpu.memory_space<hbm>>) target_semaphore(%run_scoped3A : memref<!tpu.dma_semaphore, #tpu.memory_space<semaphore_mem>>)
      %dma_wait3A = arith.constant 0 : i32
      %dma_wait3A_21 = tpu.memref_slice %arg4[%arg0, %mul3A_10, %dma_wait3A] : memref<2x10240x16xf32, #tpu.memory_space<hbm>> -> memref<1x640x16xf32, #tpu.memory_space<hbm>>
      %dma_wait3A_22 = tpu.memref_squeeze %dma_wait3A_21 : memref<1x640x16xf32, #tpu.memory_space<hbm>> -> memref<640x16xf32, #tpu.memory_space<hbm>>
      %dma_wait3A_23 = arith.constant 0 : i32
      %dma_wait3A_24 = tpu.memref_slice %arg7[%mul3A_10, %dma_wait3A_23] : memref<10240x16xf32, #tpu.memory_space<vmem_shared>> -> memref<640x16xf32, #tpu.memory_space<vmem_shared>>
      tpu.wait_dma2 semaphore(%run_scoped3A : memref<!tpu.dma_semaphore, #tpu.memory_space<semaphore_mem>>) src(%dma_wait3A_24 : memref<640x16xf32, #tpu.memory_space<vmem_shared>>) dst(%dma_wait3A_22 : memref<640x16xf32, #tpu.memory_space<hbm>>)
      tpu.yield
    }) : () -> ()
    return
  }
}

#map = affine_map<(d0, d1) -> (0, 0)>
#map1 = affine_map<(d0, d1) -> (0, 0, 0)>
module attributes {stable_mosaic.version = 14 : i64} {
  func.func @_agg2_kernel(%arg0: i32, %arg1: i32, %arg2: memref<10240x64xf32, #tpu.memory_space<hbm>>, %arg3: memref<10240x64xf32, #tpu.memory_space<hbm>>, %arg4: memref<32x79x128xi32, #tpu.memory_space<hbm>>, %arg5: memref<32x79x128xi32, #tpu.memory_space<hbm>>, %arg6: memref<10240x64xf32, #tpu.memory_space<hbm>>, %arg7: memref<2x10240x64xf32, #tpu.memory_space<hbm>>, %arg8: memref<2x10240x64xf32, #tpu.memory_space<hbm>>, %arg9: memref<79x128xi32, #tpu.memory_space<vmem>>, %arg10: memref<79x128xi32, #tpu.memory_space<vmem>>, %arg11: memref<128x64xf32, #tpu.memory_space<vmem>>, %arg12: memref<128x64xf32, #tpu.memory_space<vmem>>, %arg13: memref<10240x64xf32, #tpu.memory_space<vmem_shared>>, %arg14: memref<10240x64xf32, #tpu.memory_space<vmem_shared>>, %arg15: memref<!tpu.dma_semaphore, #tpu.memory_space<semaphore_mem>>, %arg16: memref<!tpu.dma_semaphore, #tpu.memory_space<semaphore_mem>>, %arg17: memref<!tpu.dma_semaphore, #tpu.memory_space<semaphore_mem>>, %arg18: memref<!tpu.dma_semaphore, #tpu.memory_space<semaphore_mem>>) attributes {dimension_semantics = [#tpu.dimension_semantics<core_parallel>, #tpu.dimension_semantics<subcore_parallel>], iteration_bounds = array<i64: 2, 16>, scalar_prefetch = 0 : i64, scratch_operands = 10 : i64, tpu.core_type = #tpu.core_type<sc_vector_subcore>, window_params = [{transform_indices = #map}, {transform_indices = #map}, {transform_indices = #map1}, {transform_indices = #map1}, {transform_indices = #map}, {transform_indices = #map1}, {transform_indices = #map1}]} {
    %mul3A = arith.constant 16 : i32
    %mul3A_0 = arith.muli %arg0, %mul3A : i32
    %add3A = arith.addi %mul3A_0, %arg1 : i32
    %mul3A_1 = arith.constant 640 : i32
    %mul3A_2 = arith.muli %arg1, %mul3A_1 : i32
    "tpu.region"() ({
      %run_scoped3A = tpu.sem_alloc : memref<!tpu.dma_semaphore, #tpu.memory_space<semaphore_mem>>
      %dma_start3A_69 = arith.constant 0 : i32
      %dma_start3A_70 = tpu.memref_slice %arg13[%mul3A_2, %dma_start3A_69] : memref<10240x64xf32, #tpu.memory_space<vmem_shared>> -> memref<640x64xf32, #tpu.memory_space<vmem_shared>>
      %dma_start3A_71 = arith.constant 0 : i32
      %dma_start3A_72 = tpu.memref_slice %arg2[%mul3A_2, %dma_start3A_71] : memref<10240x64xf32, #tpu.memory_space<hbm>> -> memref<640x64xf32, #tpu.memory_space<hbm>>
      tpu.enqueue_dma source(%dma_start3A_72 : memref<640x64xf32, #tpu.memory_space<hbm>>) target(%dma_start3A_70 : memref<640x64xf32, #tpu.memory_space<vmem_shared>>) target_semaphore(%run_scoped3A : memref<!tpu.dma_semaphore, #tpu.memory_space<semaphore_mem>>)
      %dma_wait3A_73 = arith.constant 0 : i32
      %dma_wait3A_74 = tpu.memref_slice %arg13[%mul3A_2, %dma_wait3A_73] : memref<10240x64xf32, #tpu.memory_space<vmem_shared>> -> memref<640x64xf32, #tpu.memory_space<vmem_shared>>
      %dma_wait3A_75 = arith.constant 0 : i32
      %dma_wait3A_76 = tpu.memref_slice %arg2[%mul3A_2, %dma_wait3A_75] : memref<10240x64xf32, #tpu.memory_space<hbm>> -> memref<640x64xf32, #tpu.memory_space<hbm>>
      tpu.wait_dma2 semaphore(%run_scoped3A : memref<!tpu.dma_semaphore, #tpu.memory_space<semaphore_mem>>) src(%dma_wait3A_76 : memref<640x64xf32, #tpu.memory_space<hbm>>) dst(%dma_wait3A_74 : memref<640x64xf32, #tpu.memory_space<vmem_shared>>)
      tpu.yield
    }) : () -> ()
    "tpu.region"() ({
      %run_scoped3A = tpu.sem_alloc : memref<!tpu.dma_semaphore, #tpu.memory_space<semaphore_mem>>
      %dma_start3A_69 = arith.constant 0 : i32
      %dma_start3A_70 = tpu.memref_slice %arg14[%mul3A_2, %dma_start3A_69] : memref<10240x64xf32, #tpu.memory_space<vmem_shared>> -> memref<640x64xf32, #tpu.memory_space<vmem_shared>>
      %dma_start3A_71 = arith.constant 0 : i32
      %dma_start3A_72 = tpu.memref_slice %arg6[%mul3A_2, %dma_start3A_71] : memref<10240x64xf32, #tpu.memory_space<hbm>> -> memref<640x64xf32, #tpu.memory_space<hbm>>
      tpu.enqueue_dma source(%dma_start3A_72 : memref<640x64xf32, #tpu.memory_space<hbm>>) target(%dma_start3A_70 : memref<640x64xf32, #tpu.memory_space<vmem_shared>>) target_semaphore(%run_scoped3A : memref<!tpu.dma_semaphore, #tpu.memory_space<semaphore_mem>>)
      %dma_wait3A_73 = arith.constant 0 : i32
      %dma_wait3A_74 = tpu.memref_slice %arg14[%mul3A_2, %dma_wait3A_73] : memref<10240x64xf32, #tpu.memory_space<vmem_shared>> -> memref<640x64xf32, #tpu.memory_space<vmem_shared>>
      %dma_wait3A_75 = arith.constant 0 : i32
      %dma_wait3A_76 = tpu.memref_slice %arg6[%mul3A_2, %dma_wait3A_75] : memref<10240x64xf32, #tpu.memory_space<hbm>> -> memref<640x64xf32, #tpu.memory_space<hbm>>
      tpu.wait_dma2 semaphore(%run_scoped3A : memref<!tpu.dma_semaphore, #tpu.memory_space<semaphore_mem>>) src(%dma_wait3A_76 : memref<640x64xf32, #tpu.memory_space<hbm>>) dst(%dma_wait3A_74 : memref<640x64xf32, #tpu.memory_space<vmem_shared>>)
      tpu.yield
    }) : () -> ()
    "tpu.region"() ({
      %run_scoped3A = tpu.sem_alloc : memref<!tpu.dma_semaphore, #tpu.memory_space<semaphore_mem>>
      %dma_start3A_69 = arith.constant 0 : i32
      %dma_start3A_70 = arith.constant 0 : i32
      %dma_start3A_71 = tpu.memref_slice %arg4[%add3A, %dma_start3A_69, %dma_start3A_70] : memref<32x79x128xi32, #tpu.memory_space<hbm>> -> memref<1x79x128xi32, #tpu.memory_space<hbm>>
      %dma_start3A_72 = tpu.memref_squeeze %dma_start3A_71 : memref<1x79x128xi32, #tpu.memory_space<hbm>> -> memref<79x128xi32, #tpu.memory_space<hbm>>
      %dma_start3A_73 = arith.constant 0 : i32
      %dma_start3A_74 = arith.constant 0 : i32
      %dma_start3A_75 = tpu.memref_slice %arg4[%add3A, %dma_start3A_73, %dma_start3A_74] : memref<32x79x128xi32, #tpu.memory_space<hbm>> -> memref<1x79x128xi32, #tpu.memory_space<hbm>>
      %dma_start3A_76 = tpu.memref_squeeze %dma_start3A_75 : memref<1x79x128xi32, #tpu.memory_space<hbm>> -> memref<79x128xi32, #tpu.memory_space<hbm>>
      tpu.enqueue_dma source(%dma_start3A_76 : memref<79x128xi32, #tpu.memory_space<hbm>>) target(%arg9 : memref<79x128xi32, #tpu.memory_space<vmem>>) target_semaphore(%run_scoped3A : memref<!tpu.dma_semaphore, #tpu.memory_space<semaphore_mem>>)
      %dma_wait3A_77 = arith.constant 0 : i32
      %dma_wait3A_78 = arith.constant 0 : i32
      %dma_wait3A_79 = tpu.memref_slice %arg4[%add3A, %dma_wait3A_77, %dma_wait3A_78] : memref<32x79x128xi32, #tpu.memory_space<hbm>> -> memref<1x79x128xi32, #tpu.memory_space<hbm>>
      %dma_wait3A_80 = tpu.memref_squeeze %dma_wait3A_79 : memref<1x79x128xi32, #tpu.memory_space<hbm>> -> memref<79x128xi32, #tpu.memory_space<hbm>>
      %dma_wait3A_81 = arith.constant 0 : i32
      %dma_wait3A_82 = arith.constant 0 : i32
      %dma_wait3A_83 = tpu.memref_slice %arg4[%add3A, %dma_wait3A_81, %dma_wait3A_82] : memref<32x79x128xi32, #tpu.memory_space<hbm>> -> memref<1x79x128xi32, #tpu.memory_space<hbm>>
      %dma_wait3A_84 = tpu.memref_squeeze %dma_wait3A_83 : memref<1x79x128xi32, #tpu.memory_space<hbm>> -> memref<79x128xi32, #tpu.memory_space<hbm>>
      tpu.wait_dma2 semaphore(%run_scoped3A : memref<!tpu.dma_semaphore, #tpu.memory_space<semaphore_mem>>) src(%dma_wait3A_84 : memref<79x128xi32, #tpu.memory_space<hbm>>) dst(%arg9 : memref<79x128xi32, #tpu.memory_space<vmem>>)
      tpu.yield
    }) : () -> ()
    "tpu.region"() ({
      %run_scoped3A = tpu.sem_alloc : memref<!tpu.dma_semaphore, #tpu.memory_space<semaphore_mem>>
      %dma_start3A_69 = arith.constant 0 : i32
      %dma_start3A_70 = arith.constant 0 : i32
      %dma_start3A_71 = tpu.memref_slice %arg5[%add3A, %dma_start3A_69, %dma_start3A_70] : memref<32x79x128xi32, #tpu.memory_space<hbm>> -> memref<1x79x128xi32, #tpu.memory_space<hbm>>
      %dma_start3A_72 = tpu.memref_squeeze %dma_start3A_71 : memref<1x79x128xi32, #tpu.memory_space<hbm>> -> memref<79x128xi32, #tpu.memory_space<hbm>>
      %dma_start3A_73 = arith.constant 0 : i32
      %dma_start3A_74 = arith.constant 0 : i32
      %dma_start3A_75 = tpu.memref_slice %arg5[%add3A, %dma_start3A_73, %dma_start3A_74] : memref<32x79x128xi32, #tpu.memory_space<hbm>> -> memref<1x79x128xi32, #tpu.memory_space<hbm>>
      %dma_start3A_76 = tpu.memref_squeeze %dma_start3A_75 : memref<1x79x128xi32, #tpu.memory_space<hbm>> -> memref<79x128xi32, #tpu.memory_space<hbm>>
      tpu.enqueue_dma source(%dma_start3A_76 : memref<79x128xi32, #tpu.memory_space<hbm>>) target(%arg10 : memref<79x128xi32, #tpu.memory_space<vmem>>) target_semaphore(%run_scoped3A : memref<!tpu.dma_semaphore, #tpu.memory_space<semaphore_mem>>)
      %dma_wait3A_77 = arith.constant 0 : i32
      %dma_wait3A_78 = arith.constant 0 : i32
      %dma_wait3A_79 = tpu.memref_slice %arg5[%add3A, %dma_wait3A_77, %dma_wait3A_78] : memref<32x79x128xi32, #tpu.memory_space<hbm>> -> memref<1x79x128xi32, #tpu.memory_space<hbm>>
      %dma_wait3A_80 = tpu.memref_squeeze %dma_wait3A_79 : memref<1x79x128xi32, #tpu.memory_space<hbm>> -> memref<79x128xi32, #tpu.memory_space<hbm>>
      %dma_wait3A_81 = arith.constant 0 : i32
      %dma_wait3A_82 = arith.constant 0 : i32
      %dma_wait3A_83 = tpu.memref_slice %arg5[%add3A, %dma_wait3A_81, %dma_wait3A_82] : memref<32x79x128xi32, #tpu.memory_space<hbm>> -> memref<1x79x128xi32, #tpu.memory_space<hbm>>
      %dma_wait3A_84 = tpu.memref_squeeze %dma_wait3A_83 : memref<1x79x128xi32, #tpu.memory_space<hbm>> -> memref<79x128xi32, #tpu.memory_space<hbm>>
      tpu.wait_dma2 semaphore(%run_scoped3A : memref<!tpu.dma_semaphore, #tpu.memory_space<semaphore_mem>>) src(%dma_wait3A_84 : memref<79x128xi32, #tpu.memory_space<hbm>>) dst(%arg10 : memref<79x128xi32, #tpu.memory_space<vmem>>)
      tpu.yield
    }) : () -> ()
    %barrier3A = arith.constant 0 : index
    tpu.barrier barrier_id(%barrier3A)
    %dma_start3A = arith.constant 0 : i32
    %dma_start3A_3 = arith.constant 0 : i32
    %dma_start3A_4 = tpu.memref_slice %arg9[%dma_start3A, %dma_start3A_3] : memref<79x128xi32, #tpu.memory_space<vmem>> -> memref<1x128xi32, #tpu.memory_space<vmem>>
    %dma_start3A_5 = tpu.memref_squeeze %dma_start3A_4 : memref<1x128xi32, #tpu.memory_space<vmem>> -> memref<128xi32, #tpu.memory_space<vmem>>
    %dma_start3A_6 = arith.constant 0 : i32
    %dma_start3A_7 = arith.constant 0 : i32
    %dma_start3A_8 = tpu.memref_slice %arg13[%dma_start3A_6, %dma_start3A_7] : memref<10240x64xf32, #tpu.memory_space<vmem_shared>> -> memref<10240x64xf32, #tpu.memory_space<vmem_shared>>
    tpu.enqueue_indirect_dma source(%dma_start3A_8 : memref<10240x64xf32, #tpu.memory_space<vmem_shared>>) target(%arg11 : memref<128x64xf32, #tpu.memory_space<vmem>>) offsets(%dma_start3A_5 : memref<128xi32, #tpu.memory_space<vmem>>) semaphore(%arg15 : memref<!tpu.dma_semaphore, #tpu.memory_space<semaphore_mem>>)
    %dma_start3A_9 = arith.constant 1 : i32
    %dma_start3A_10 = arith.constant 0 : i32
    %dma_start3A_11 = tpu.memref_slice %arg9[%dma_start3A_9, %dma_start3A_10] : memref<79x128xi32, #tpu.memory_space<vmem>> -> memref<1x128xi32, #tpu.memory_space<vmem>>
    %dma_start3A_12 = tpu.memref_squeeze %dma_start3A_11 : memref<1x128xi32, #tpu.memory_space<vmem>> -> memref<128xi32, #tpu.memory_space<vmem>>
    %dma_start3A_13 = arith.constant 0 : i32
    %dma_start3A_14 = arith.constant 0 : i32
    %dma_start3A_15 = tpu.memref_slice %arg13[%dma_start3A_13, %dma_start3A_14] : memref<10240x64xf32, #tpu.memory_space<vmem_shared>> -> memref<10240x64xf32, #tpu.memory_space<vmem_shared>>
    tpu.enqueue_indirect_dma source(%dma_start3A_15 : memref<10240x64xf32, #tpu.memory_space<vmem_shared>>) target(%arg12 : memref<128x64xf32, #tpu.memory_space<vmem>>) offsets(%dma_start3A_12 : memref<128xi32, #tpu.memory_space<vmem>>) semaphore(%arg16 : memref<!tpu.dma_semaphore, #tpu.memory_space<semaphore_mem>>)
    %scan3A = arith.constant 0 : i32
    %scan3A_16 = arith.constant 40 : i32
    %scan3A_17 = arith.addi %scan3A, %scan3A_16 : i32
    %scan3A_18 = arith.constant 1 : i32
    scf.for %scan3A_69 = %scan3A to %scan3A_17 step %scan3A_18  : i32 {
      %mul3A_70 = arith.constant 2 : i32
      %mul3A_71 = arith.muli %scan3A_69, %mul3A_70 : i32
      %add3A_72 = arith.constant 0 : i32
      %add3A_73 = arith.addi %add3A_72, %mul3A_71 : i32
      %add3A_74 = arith.constant 0 : i32
      %add3A_75 = arith.addi %add3A_73, %add3A_74 : i32
      %lt3A = arith.constant 79 : i32
      %lt3A_76 = arith.cmpi slt, %add3A_75, %lt3A : i32
      %convert_element_type3A = arith.extui %lt3A_76 : i1 to i32
      %cond3A = arith.constant 0 : i32
      %cond3A_77 = arith.cmpi ne, %convert_element_type3A, %cond3A : i32
      scf.if %cond3A_77 {
        %dma_wait3A_103 = arith.constant 0 : i32
        %dma_wait3A_104 = tpu.memref_slice %arg9[%add3A_75, %dma_wait3A_103] : memref<79x128xi32, #tpu.memory_space<vmem>> -> memref<1x128xi32, #tpu.memory_space<vmem>>
        %dma_wait3A_105 = tpu.memref_squeeze %dma_wait3A_104 : memref<1x128xi32, #tpu.memory_space<vmem>> -> memref<128xi32, #tpu.memory_space<vmem>>
        %dma_wait3A_106 = arith.constant 0 : i32
        %dma_wait3A_107 = arith.constant 0 : i32
        %dma_wait3A_108 = tpu.memref_slice %arg13[%dma_wait3A_106, %dma_wait3A_107] : memref<10240x64xf32, #tpu.memory_space<vmem_shared>> -> memref<10240x64xf32, #tpu.memory_space<vmem_shared>>
        tpu.wait_indirect_dma semaphore(%arg15 : memref<!tpu.dma_semaphore, #tpu.memory_space<semaphore_mem>>) src(%dma_wait3A_108 : memref<10240x64xf32, #tpu.memory_space<vmem_shared>>) dst(%arg11 : memref<128x64xf32, #tpu.memory_space<vmem>>)
        %dma_start3A_109 = arith.constant 0 : i32
        %dma_start3A_110 = tpu.memref_slice %arg10[%add3A_75, %dma_start3A_109] : memref<79x128xi32, #tpu.memory_space<vmem>> -> memref<1x128xi32, #tpu.memory_space<vmem>>
        %dma_start3A_111 = tpu.memref_squeeze %dma_start3A_110 : memref<1x128xi32, #tpu.memory_space<vmem>> -> memref<128xi32, #tpu.memory_space<vmem>>
        %dma_start3A_112 = arith.constant 0 : i32
        %dma_start3A_113 = arith.constant 0 : i32
        %dma_start3A_114 = tpu.memref_slice %arg14[%dma_start3A_112, %dma_start3A_113] : memref<10240x64xf32, #tpu.memory_space<vmem_shared>> -> memref<10240x64xf32, #tpu.memory_space<vmem_shared>>
        tpu.enqueue_indirect_dma source(%arg11 : memref<128x64xf32, #tpu.memory_space<vmem>>) target(%dma_start3A_114 : memref<10240x64xf32, #tpu.memory_space<vmem_shared>>) offsets(%dma_start3A_111 : memref<128xi32, #tpu.memory_space<vmem>>) semaphore(%arg17 : memref<!tpu.dma_semaphore, #tpu.memory_space<semaphore_mem>>) {add = true}
      } else {
      }
      %add3A_78 = arith.constant 1 : i32
      %add3A_79 = arith.addi %add3A_73, %add3A_78 : i32
      %lt3A_80 = arith.constant 79 : i32
      %lt3A_81 = arith.cmpi slt, %add3A_79, %lt3A_80 : i32
      %convert_element_type3A_82 = arith.extui %lt3A_81 : i1 to i32
      %cond3A_83 = arith.constant 0 : i32
      %cond3A_84 = arith.cmpi ne, %convert_element_type3A_82, %cond3A_83 : i32
      scf.if %cond3A_84 {
        %dma_wait3A_103 = arith.constant 0 : i32
        %dma_wait3A_104 = tpu.memref_slice %arg9[%add3A_79, %dma_wait3A_103] : memref<79x128xi32, #tpu.memory_space<vmem>> -> memref<1x128xi32, #tpu.memory_space<vmem>>
        %dma_wait3A_105 = tpu.memref_squeeze %dma_wait3A_104 : memref<1x128xi32, #tpu.memory_space<vmem>> -> memref<128xi32, #tpu.memory_space<vmem>>
        %dma_wait3A_106 = arith.constant 0 : i32
        %dma_wait3A_107 = arith.constant 0 : i32
        %dma_wait3A_108 = tpu.memref_slice %arg13[%dma_wait3A_106, %dma_wait3A_107] : memref<10240x64xf32, #tpu.memory_space<vmem_shared>> -> memref<10240x64xf32, #tpu.memory_space<vmem_shared>>
        tpu.wait_indirect_dma semaphore(%arg16 : memref<!tpu.dma_semaphore, #tpu.memory_space<semaphore_mem>>) src(%dma_wait3A_108 : memref<10240x64xf32, #tpu.memory_space<vmem_shared>>) dst(%arg12 : memref<128x64xf32, #tpu.memory_space<vmem>>)
        %dma_start3A_109 = arith.constant 0 : i32
        %dma_start3A_110 = tpu.memref_slice %arg10[%add3A_79, %dma_start3A_109] : memref<79x128xi32, #tpu.memory_space<vmem>> -> memref<1x128xi32, #tpu.memory_space<vmem>>
        %dma_start3A_111 = tpu.memref_squeeze %dma_start3A_110 : memref<1x128xi32, #tpu.memory_space<vmem>> -> memref<128xi32, #tpu.memory_space<vmem>>
        %dma_start3A_112 = arith.constant 0 : i32
        %dma_start3A_113 = arith.constant 0 : i32
        %dma_start3A_114 = tpu.memref_slice %arg14[%dma_start3A_112, %dma_start3A_113] : memref<10240x64xf32, #tpu.memory_space<vmem_shared>> -> memref<10240x64xf32, #tpu.memory_space<vmem_shared>>
        tpu.enqueue_indirect_dma source(%arg12 : memref<128x64xf32, #tpu.memory_space<vmem>>) target(%dma_start3A_114 : memref<10240x64xf32, #tpu.memory_space<vmem_shared>>) offsets(%dma_start3A_111 : memref<128xi32, #tpu.memory_space<vmem>>) semaphore(%arg18 : memref<!tpu.dma_semaphore, #tpu.memory_space<semaphore_mem>>) {add = true}
      } else {
      }
      %add3A_85 = arith.constant 0 : i32
      %add3A_86 = arith.addi %add3A_73, %add3A_85 : i32
      %add3A_87 = arith.constant 2 : i32
      %add3A_88 = arith.addi %add3A_86, %add3A_87 : i32
      %lt3A_89 = arith.constant 79 : i32
      %lt3A_90 = arith.cmpi slt, %add3A_88, %lt3A_89 : i32
      %convert_element_type3A_91 = arith.extui %lt3A_90 : i1 to i32
      %cond3A_92 = arith.constant 0 : i32
      %cond3A_93 = arith.cmpi ne, %convert_element_type3A_91, %cond3A_92 : i32
      scf.if %cond3A_93 {
        %dma_wait3A_103 = arith.constant 0 : i32
        %dma_wait3A_104 = tpu.memref_slice %arg10[%add3A_86, %dma_wait3A_103] : memref<79x128xi32, #tpu.memory_space<vmem>> -> memref<1x128xi32, #tpu.memory_space<vmem>>
        %dma_wait3A_105 = tpu.memref_squeeze %dma_wait3A_104 : memref<1x128xi32, #tpu.memory_space<vmem>> -> memref<128xi32, #tpu.memory_space<vmem>>
        %dma_wait3A_106 = arith.constant 0 : i32
        %dma_wait3A_107 = arith.constant 0 : i32
        %dma_wait3A_108 = tpu.memref_slice %arg14[%dma_wait3A_106, %dma_wait3A_107] : memref<10240x64xf32, #tpu.memory_space<vmem_shared>> -> memref<10240x64xf32, #tpu.memory_space<vmem_shared>>
        tpu.wait_indirect_dma semaphore(%arg17 : memref<!tpu.dma_semaphore, #tpu.memory_space<semaphore_mem>>) src(%arg11 : memref<128x64xf32, #tpu.memory_space<vmem>>) dst(%dma_wait3A_108 : memref<10240x64xf32, #tpu.memory_space<vmem_shared>>)
        %add3A_109 = arith.constant 2 : i32
        %add3A_110 = arith.addi %add3A_86, %add3A_109 : i32
        %dma_start3A_111 = arith.constant 0 : i32
        %dma_start3A_112 = tpu.memref_slice %arg9[%add3A_110, %dma_start3A_111] : memref<79x128xi32, #tpu.memory_space<vmem>> -> memref<1x128xi32, #tpu.memory_space<vmem>>
        %dma_start3A_113 = tpu.memref_squeeze %dma_start3A_112 : memref<1x128xi32, #tpu.memory_space<vmem>> -> memref<128xi32, #tpu.memory_space<vmem>>
        %dma_start3A_114 = arith.constant 0 : i32
        %dma_start3A_115 = arith.constant 0 : i32
        %dma_start3A_116 = tpu.memref_slice %arg13[%dma_start3A_114, %dma_start3A_115] : memref<10240x64xf32, #tpu.memory_space<vmem_shared>> -> memref<10240x64xf32, #tpu.memory_space<vmem_shared>>
        tpu.enqueue_indirect_dma source(%dma_start3A_116 : memref<10240x64xf32, #tpu.memory_space<vmem_shared>>) target(%arg11 : memref<128x64xf32, #tpu.memory_space<vmem>>) offsets(%dma_start3A_113 : memref<128xi32, #tpu.memory_space<vmem>>) semaphore(%arg15 : memref<!tpu.dma_semaphore, #tpu.memory_space<semaphore_mem>>)
      } else {
      }
      %add3A_94 = arith.constant 1 : i32
      %add3A_95 = arith.addi %add3A_73, %add3A_94 : i32
      %add3A_96 = arith.constant 2 : i32
      %add3A_97 = arith.addi %add3A_95, %add3A_96 : i32
      %lt3A_98 = arith.constant 79 : i32
      %lt3A_99 = arith.cmpi slt, %add3A_97, %lt3A_98 : i32
      %convert_element_type3A_100 = arith.extui %lt3A_99 : i1 to i32
      %cond3A_101 = arith.constant 0 : i32
      %cond3A_102 = arith.cmpi ne, %convert_element_type3A_100, %cond3A_101 : i32
      scf.if %cond3A_102 {
        %dma_wait3A_103 = arith.constant 0 : i32
        %dma_wait3A_104 = tpu.memref_slice %arg10[%add3A_95, %dma_wait3A_103] : memref<79x128xi32, #tpu.memory_space<vmem>> -> memref<1x128xi32, #tpu.memory_space<vmem>>
        %dma_wait3A_105 = tpu.memref_squeeze %dma_wait3A_104 : memref<1x128xi32, #tpu.memory_space<vmem>> -> memref<128xi32, #tpu.memory_space<vmem>>
        %dma_wait3A_106 = arith.constant 0 : i32
        %dma_wait3A_107 = arith.constant 0 : i32
        %dma_wait3A_108 = tpu.memref_slice %arg14[%dma_wait3A_106, %dma_wait3A_107] : memref<10240x64xf32, #tpu.memory_space<vmem_shared>> -> memref<10240x64xf32, #tpu.memory_space<vmem_shared>>
        tpu.wait_indirect_dma semaphore(%arg18 : memref<!tpu.dma_semaphore, #tpu.memory_space<semaphore_mem>>) src(%arg12 : memref<128x64xf32, #tpu.memory_space<vmem>>) dst(%dma_wait3A_108 : memref<10240x64xf32, #tpu.memory_space<vmem_shared>>)
        %add3A_109 = arith.constant 2 : i32
        %add3A_110 = arith.addi %add3A_95, %add3A_109 : i32
        %dma_start3A_111 = arith.constant 0 : i32
        %dma_start3A_112 = tpu.memref_slice %arg9[%add3A_110, %dma_start3A_111] : memref<79x128xi32, #tpu.memory_space<vmem>> -> memref<1x128xi32, #tpu.memory_space<vmem>>
        %dma_start3A_113 = tpu.memref_squeeze %dma_start3A_112 : memref<1x128xi32, #tpu.memory_space<vmem>> -> memref<128xi32, #tpu.memory_space<vmem>>
        %dma_start3A_114 = arith.constant 0 : i32
        %dma_start3A_115 = arith.constant 0 : i32
        %dma_start3A_116 = tpu.memref_slice %arg13[%dma_start3A_114, %dma_start3A_115] : memref<10240x64xf32, #tpu.memory_space<vmem_shared>> -> memref<10240x64xf32, #tpu.memory_space<vmem_shared>>
        tpu.enqueue_indirect_dma source(%dma_start3A_116 : memref<10240x64xf32, #tpu.memory_space<vmem_shared>>) target(%arg12 : memref<128x64xf32, #tpu.memory_space<vmem>>) offsets(%dma_start3A_113 : memref<128xi32, #tpu.memory_space<vmem>>) semaphore(%arg16 : memref<!tpu.dma_semaphore, #tpu.memory_space<semaphore_mem>>)
      } else {
      }
    }
    %scan3A_19 = arith.constant 40 : i32
    %dma_wait3A = arith.constant 78 : i32
    %dma_wait3A_20 = arith.constant 0 : i32
    %dma_wait3A_21 = tpu.memref_slice %arg10[%dma_wait3A, %dma_wait3A_20] : memref<79x128xi32, #tpu.memory_space<vmem>> -> memref<1x128xi32, #tpu.memory_space<vmem>>
    %dma_wait3A_22 = tpu.memref_squeeze %dma_wait3A_21 : memref<1x128xi32, #tpu.memory_space<vmem>> -> memref<128xi32, #tpu.memory_space<vmem>>
    %dma_wait3A_23 = arith.constant 0 : i32
    %dma_wait3A_24 = arith.constant 0 : i32
    %dma_wait3A_25 = tpu.memref_slice %arg14[%dma_wait3A_23, %dma_wait3A_24] : memref<10240x64xf32, #tpu.memory_space<vmem_shared>> -> memref<10240x64xf32, #tpu.memory_space<vmem_shared>>
    tpu.wait_indirect_dma semaphore(%arg17 : memref<!tpu.dma_semaphore, #tpu.memory_space<semaphore_mem>>) src(%arg11 : memref<128x64xf32, #tpu.memory_space<vmem>>) dst(%dma_wait3A_25 : memref<10240x64xf32, #tpu.memory_space<vmem_shared>>)
    %dma_wait3A_26 = arith.constant 77 : i32
    %dma_wait3A_27 = arith.constant 0 : i32
    %dma_wait3A_28 = tpu.memref_slice %arg10[%dma_wait3A_26, %dma_wait3A_27] : memref<79x128xi32, #tpu.memory_space<vmem>> -> memref<1x128xi32, #tpu.memory_space<vmem>>
    %dma_wait3A_29 = tpu.memref_squeeze %dma_wait3A_28 : memref<1x128xi32, #tpu.memory_space<vmem>> -> memref<128xi32, #tpu.memory_space<vmem>>
    %dma_wait3A_30 = arith.constant 0 : i32
    %dma_wait3A_31 = arith.constant 0 : i32
    %dma_wait3A_32 = tpu.memref_slice %arg14[%dma_wait3A_30, %dma_wait3A_31] : memref<10240x64xf32, #tpu.memory_space<vmem_shared>> -> memref<10240x64xf32, #tpu.memory_space<vmem_shared>>
    tpu.wait_indirect_dma semaphore(%arg18 : memref<!tpu.dma_semaphore, #tpu.memory_space<semaphore_mem>>) src(%arg12 : memref<128x64xf32, #tpu.memory_space<vmem>>) dst(%dma_wait3A_32 : memref<10240x64xf32, #tpu.memory_space<vmem_shared>>)
    %barrier3A_33 = arith.constant 0 : index
    tpu.barrier barrier_id(%barrier3A_33)
    "tpu.region"() ({
      %run_scoped3A = tpu.sem_alloc : memref<!tpu.dma_semaphore, #tpu.memory_space<semaphore_mem>>
      %dma_start3A_69 = arith.constant 0 : i32
      %dma_start3A_70 = tpu.memref_slice %arg7[%arg0, %mul3A_2, %dma_start3A_69] : memref<2x10240x64xf32, #tpu.memory_space<hbm>> -> memref<1x640x64xf32, #tpu.memory_space<hbm>>
      %dma_start3A_71 = tpu.memref_squeeze %dma_start3A_70 : memref<1x640x64xf32, #tpu.memory_space<hbm>> -> memref<640x64xf32, #tpu.memory_space<hbm>>
      %dma_start3A_72 = arith.constant 0 : i32
      %dma_start3A_73 = tpu.memref_slice %arg14[%mul3A_2, %dma_start3A_72] : memref<10240x64xf32, #tpu.memory_space<vmem_shared>> -> memref<640x64xf32, #tpu.memory_space<vmem_shared>>
      tpu.enqueue_dma source(%dma_start3A_73 : memref<640x64xf32, #tpu.memory_space<vmem_shared>>) target(%dma_start3A_71 : memref<640x64xf32, #tpu.memory_space<hbm>>) target_semaphore(%run_scoped3A : memref<!tpu.dma_semaphore, #tpu.memory_space<semaphore_mem>>)
      %dma_wait3A_74 = arith.constant 0 : i32
      %dma_wait3A_75 = tpu.memref_slice %arg7[%arg0, %mul3A_2, %dma_wait3A_74] : memref<2x10240x64xf32, #tpu.memory_space<hbm>> -> memref<1x640x64xf32, #tpu.memory_space<hbm>>
      %dma_wait3A_76 = tpu.memref_squeeze %dma_wait3A_75 : memref<1x640x64xf32, #tpu.memory_space<hbm>> -> memref<640x64xf32, #tpu.memory_space<hbm>>
      %dma_wait3A_77 = arith.constant 0 : i32
      %dma_wait3A_78 = tpu.memref_slice %arg14[%mul3A_2, %dma_wait3A_77] : memref<10240x64xf32, #tpu.memory_space<vmem_shared>> -> memref<640x64xf32, #tpu.memory_space<vmem_shared>>
      tpu.wait_dma2 semaphore(%run_scoped3A : memref<!tpu.dma_semaphore, #tpu.memory_space<semaphore_mem>>) src(%dma_wait3A_78 : memref<640x64xf32, #tpu.memory_space<vmem_shared>>) dst(%dma_wait3A_76 : memref<640x64xf32, #tpu.memory_space<hbm>>)
      tpu.yield
    }) : () -> ()
    "tpu.region"() ({
      %run_scoped3A = tpu.sem_alloc : memref<!tpu.dma_semaphore, #tpu.memory_space<semaphore_mem>>
      %dma_start3A_69 = arith.constant 0 : i32
      %dma_start3A_70 = tpu.memref_slice %arg13[%mul3A_2, %dma_start3A_69] : memref<10240x64xf32, #tpu.memory_space<vmem_shared>> -> memref<640x64xf32, #tpu.memory_space<vmem_shared>>
      %dma_start3A_71 = arith.constant 0 : i32
      %dma_start3A_72 = tpu.memref_slice %arg3[%mul3A_2, %dma_start3A_71] : memref<10240x64xf32, #tpu.memory_space<hbm>> -> memref<640x64xf32, #tpu.memory_space<hbm>>
      tpu.enqueue_dma source(%dma_start3A_72 : memref<640x64xf32, #tpu.memory_space<hbm>>) target(%dma_start3A_70 : memref<640x64xf32, #tpu.memory_space<vmem_shared>>) target_semaphore(%run_scoped3A : memref<!tpu.dma_semaphore, #tpu.memory_space<semaphore_mem>>)
      %dma_wait3A_73 = arith.constant 0 : i32
      %dma_wait3A_74 = tpu.memref_slice %arg13[%mul3A_2, %dma_wait3A_73] : memref<10240x64xf32, #tpu.memory_space<vmem_shared>> -> memref<640x64xf32, #tpu.memory_space<vmem_shared>>
      %dma_wait3A_75 = arith.constant 0 : i32
      %dma_wait3A_76 = tpu.memref_slice %arg3[%mul3A_2, %dma_wait3A_75] : memref<10240x64xf32, #tpu.memory_space<hbm>> -> memref<640x64xf32, #tpu.memory_space<hbm>>
      tpu.wait_dma2 semaphore(%run_scoped3A : memref<!tpu.dma_semaphore, #tpu.memory_space<semaphore_mem>>) src(%dma_wait3A_76 : memref<640x64xf32, #tpu.memory_space<hbm>>) dst(%dma_wait3A_74 : memref<640x64xf32, #tpu.memory_space<vmem_shared>>)
      tpu.yield
    }) : () -> ()
    "tpu.region"() ({
      %run_scoped3A = tpu.sem_alloc : memref<!tpu.dma_semaphore, #tpu.memory_space<semaphore_mem>>
      %dma_start3A_69 = arith.constant 0 : i32
      %dma_start3A_70 = tpu.memref_slice %arg14[%mul3A_2, %dma_start3A_69] : memref<10240x64xf32, #tpu.memory_space<vmem_shared>> -> memref<640x64xf32, #tpu.memory_space<vmem_shared>>
      %dma_start3A_71 = arith.constant 0 : i32
      %dma_start3A_72 = tpu.memref_slice %arg6[%mul3A_2, %dma_start3A_71] : memref<10240x64xf32, #tpu.memory_space<hbm>> -> memref<640x64xf32, #tpu.memory_space<hbm>>
      tpu.enqueue_dma source(%dma_start3A_72 : memref<640x64xf32, #tpu.memory_space<hbm>>) target(%dma_start3A_70 : memref<640x64xf32, #tpu.memory_space<vmem_shared>>) target_semaphore(%run_scoped3A : memref<!tpu.dma_semaphore, #tpu.memory_space<semaphore_mem>>)
      %dma_wait3A_73 = arith.constant 0 : i32
      %dma_wait3A_74 = tpu.memref_slice %arg14[%mul3A_2, %dma_wait3A_73] : memref<10240x64xf32, #tpu.memory_space<vmem_shared>> -> memref<640x64xf32, #tpu.memory_space<vmem_shared>>
      %dma_wait3A_75 = arith.constant 0 : i32
      %dma_wait3A_76 = tpu.memref_slice %arg6[%mul3A_2, %dma_wait3A_75] : memref<10240x64xf32, #tpu.memory_space<hbm>> -> memref<640x64xf32, #tpu.memory_space<hbm>>
      tpu.wait_dma2 semaphore(%run_scoped3A : memref<!tpu.dma_semaphore, #tpu.memory_space<semaphore_mem>>) src(%dma_wait3A_76 : memref<640x64xf32, #tpu.memory_space<hbm>>) dst(%dma_wait3A_74 : memref<640x64xf32, #tpu.memory_space<vmem_shared>>)
      tpu.yield
    }) : () -> ()
    %barrier3A_34 = arith.constant 0 : index
    tpu.barrier barrier_id(%barrier3A_34)
    %dma_start3A_35 = arith.constant 0 : i32
    %dma_start3A_36 = arith.constant 0 : i32
    %dma_start3A_37 = tpu.memref_slice %arg9[%dma_start3A_35, %dma_start3A_36] : memref<79x128xi32, #tpu.memory_space<vmem>> -> memref<1x128xi32, #tpu.memory_space<vmem>>
    %dma_start3A_38 = tpu.memref_squeeze %dma_start3A_37 : memref<1x128xi32, #tpu.memory_space<vmem>> -> memref<128xi32, #tpu.memory_space<vmem>>
    %dma_start3A_39 = arith.constant 0 : i32
    %dma_start3A_40 = arith.constant 0 : i32
    %dma_start3A_41 = tpu.memref_slice %arg13[%dma_start3A_39, %dma_start3A_40] : memref<10240x64xf32, #tpu.memory_space<vmem_shared>> -> memref<10240x64xf32, #tpu.memory_space<vmem_shared>>
    tpu.enqueue_indirect_dma source(%dma_start3A_41 : memref<10240x64xf32, #tpu.memory_space<vmem_shared>>) target(%arg11 : memref<128x64xf32, #tpu.memory_space<vmem>>) offsets(%dma_start3A_38 : memref<128xi32, #tpu.memory_space<vmem>>) semaphore(%arg15 : memref<!tpu.dma_semaphore, #tpu.memory_space<semaphore_mem>>)
    %dma_start3A_42 = arith.constant 1 : i32
    %dma_start3A_43 = arith.constant 0 : i32
    %dma_start3A_44 = tpu.memref_slice %arg9[%dma_start3A_42, %dma_start3A_43] : memref<79x128xi32, #tpu.memory_space<vmem>> -> memref<1x128xi32, #tpu.memory_space<vmem>>
    %dma_start3A_45 = tpu.memref_squeeze %dma_start3A_44 : memref<1x128xi32, #tpu.memory_space<vmem>> -> memref<128xi32, #tpu.memory_space<vmem>>
    %dma_start3A_46 = arith.constant 0 : i32
    %dma_start3A_47 = arith.constant 0 : i32
    %dma_start3A_48 = tpu.memref_slice %arg13[%dma_start3A_46, %dma_start3A_47] : memref<10240x64xf32, #tpu.memory_space<vmem_shared>> -> memref<10240x64xf32, #tpu.memory_space<vmem_shared>>
    tpu.enqueue_indirect_dma source(%dma_start3A_48 : memref<10240x64xf32, #tpu.memory_space<vmem_shared>>) target(%arg12 : memref<128x64xf32, #tpu.memory_space<vmem>>) offsets(%dma_start3A_45 : memref<128xi32, #tpu.memory_space<vmem>>) semaphore(%arg16 : memref<!tpu.dma_semaphore, #tpu.memory_space<semaphore_mem>>)
    %scan3A_49 = arith.constant 0 : i32
    %scan3A_50 = arith.constant 40 : i32
    %scan3A_51 = arith.addi %scan3A_49, %scan3A_50 : i32
    %scan3A_52 = arith.constant 1 : i32
    scf.for %scan3A_69 = %scan3A_49 to %scan3A_51 step %scan3A_52  : i32 {
      %mul3A_70 = arith.constant 2 : i32
      %mul3A_71 = arith.muli %scan3A_69, %mul3A_70 : i32
      %add3A_72 = arith.constant 0 : i32
      %add3A_73 = arith.addi %add3A_72, %mul3A_71 : i32
      %add3A_74 = arith.constant 0 : i32
      %add3A_75 = arith.addi %add3A_73, %add3A_74 : i32
      %lt3A = arith.constant 79 : i32
      %lt3A_76 = arith.cmpi slt, %add3A_75, %lt3A : i32
      %convert_element_type3A = arith.extui %lt3A_76 : i1 to i32
      %cond3A = arith.constant 0 : i32
      %cond3A_77 = arith.cmpi ne, %convert_element_type3A, %cond3A : i32
      scf.if %cond3A_77 {
        %dma_wait3A_103 = arith.constant 0 : i32
        %dma_wait3A_104 = tpu.memref_slice %arg9[%add3A_75, %dma_wait3A_103] : memref<79x128xi32, #tpu.memory_space<vmem>> -> memref<1x128xi32, #tpu.memory_space<vmem>>
        %dma_wait3A_105 = tpu.memref_squeeze %dma_wait3A_104 : memref<1x128xi32, #tpu.memory_space<vmem>> -> memref<128xi32, #tpu.memory_space<vmem>>
        %dma_wait3A_106 = arith.constant 0 : i32
        %dma_wait3A_107 = arith.constant 0 : i32
        %dma_wait3A_108 = tpu.memref_slice %arg13[%dma_wait3A_106, %dma_wait3A_107] : memref<10240x64xf32, #tpu.memory_space<vmem_shared>> -> memref<10240x64xf32, #tpu.memory_space<vmem_shared>>
        tpu.wait_indirect_dma semaphore(%arg15 : memref<!tpu.dma_semaphore, #tpu.memory_space<semaphore_mem>>) src(%dma_wait3A_108 : memref<10240x64xf32, #tpu.memory_space<vmem_shared>>) dst(%arg11 : memref<128x64xf32, #tpu.memory_space<vmem>>)
        %dma_start3A_109 = arith.constant 0 : i32
        %dma_start3A_110 = tpu.memref_slice %arg10[%add3A_75, %dma_start3A_109] : memref<79x128xi32, #tpu.memory_space<vmem>> -> memref<1x128xi32, #tpu.memory_space<vmem>>
        %dma_start3A_111 = tpu.memref_squeeze %dma_start3A_110 : memref<1x128xi32, #tpu.memory_space<vmem>> -> memref<128xi32, #tpu.memory_space<vmem>>
        %dma_start3A_112 = arith.constant 0 : i32
        %dma_start3A_113 = arith.constant 0 : i32
        %dma_start3A_114 = tpu.memref_slice %arg14[%dma_start3A_112, %dma_start3A_113] : memref<10240x64xf32, #tpu.memory_space<vmem_shared>> -> memref<10240x64xf32, #tpu.memory_space<vmem_shared>>
        tpu.enqueue_indirect_dma source(%arg11 : memref<128x64xf32, #tpu.memory_space<vmem>>) target(%dma_start3A_114 : memref<10240x64xf32, #tpu.memory_space<vmem_shared>>) offsets(%dma_start3A_111 : memref<128xi32, #tpu.memory_space<vmem>>) semaphore(%arg17 : memref<!tpu.dma_semaphore, #tpu.memory_space<semaphore_mem>>) {add = true}
      } else {
      }
      %add3A_78 = arith.constant 1 : i32
      %add3A_79 = arith.addi %add3A_73, %add3A_78 : i32
      %lt3A_80 = arith.constant 79 : i32
      %lt3A_81 = arith.cmpi slt, %add3A_79, %lt3A_80 : i32
      %convert_element_type3A_82 = arith.extui %lt3A_81 : i1 to i32
      %cond3A_83 = arith.constant 0 : i32
      %cond3A_84 = arith.cmpi ne, %convert_element_type3A_82, %cond3A_83 : i32
      scf.if %cond3A_84 {
        %dma_wait3A_103 = arith.constant 0 : i32
        %dma_wait3A_104 = tpu.memref_slice %arg9[%add3A_79, %dma_wait3A_103] : memref<79x128xi32, #tpu.memory_space<vmem>> -> memref<1x128xi32, #tpu.memory_space<vmem>>
        %dma_wait3A_105 = tpu.memref_squeeze %dma_wait3A_104 : memref<1x128xi32, #tpu.memory_space<vmem>> -> memref<128xi32, #tpu.memory_space<vmem>>
        %dma_wait3A_106 = arith.constant 0 : i32
        %dma_wait3A_107 = arith.constant 0 : i32
        %dma_wait3A_108 = tpu.memref_slice %arg13[%dma_wait3A_106, %dma_wait3A_107] : memref<10240x64xf32, #tpu.memory_space<vmem_shared>> -> memref<10240x64xf32, #tpu.memory_space<vmem_shared>>
        tpu.wait_indirect_dma semaphore(%arg16 : memref<!tpu.dma_semaphore, #tpu.memory_space<semaphore_mem>>) src(%dma_wait3A_108 : memref<10240x64xf32, #tpu.memory_space<vmem_shared>>) dst(%arg12 : memref<128x64xf32, #tpu.memory_space<vmem>>)
        %dma_start3A_109 = arith.constant 0 : i32
        %dma_start3A_110 = tpu.memref_slice %arg10[%add3A_79, %dma_start3A_109] : memref<79x128xi32, #tpu.memory_space<vmem>> -> memref<1x128xi32, #tpu.memory_space<vmem>>
        %dma_start3A_111 = tpu.memref_squeeze %dma_start3A_110 : memref<1x128xi32, #tpu.memory_space<vmem>> -> memref<128xi32, #tpu.memory_space<vmem>>
        %dma_start3A_112 = arith.constant 0 : i32
        %dma_start3A_113 = arith.constant 0 : i32
        %dma_start3A_114 = tpu.memref_slice %arg14[%dma_start3A_112, %dma_start3A_113] : memref<10240x64xf32, #tpu.memory_space<vmem_shared>> -> memref<10240x64xf32, #tpu.memory_space<vmem_shared>>
        tpu.enqueue_indirect_dma source(%arg12 : memref<128x64xf32, #tpu.memory_space<vmem>>) target(%dma_start3A_114 : memref<10240x64xf32, #tpu.memory_space<vmem_shared>>) offsets(%dma_start3A_111 : memref<128xi32, #tpu.memory_space<vmem>>) semaphore(%arg18 : memref<!tpu.dma_semaphore, #tpu.memory_space<semaphore_mem>>) {add = true}
      } else {
      }
      %add3A_85 = arith.constant 0 : i32
      %add3A_86 = arith.addi %add3A_73, %add3A_85 : i32
      %add3A_87 = arith.constant 2 : i32
      %add3A_88 = arith.addi %add3A_86, %add3A_87 : i32
      %lt3A_89 = arith.constant 79 : i32
      %lt3A_90 = arith.cmpi slt, %add3A_88, %lt3A_89 : i32
      %convert_element_type3A_91 = arith.extui %lt3A_90 : i1 to i32
      %cond3A_92 = arith.constant 0 : i32
      %cond3A_93 = arith.cmpi ne, %convert_element_type3A_91, %cond3A_92 : i32
      scf.if %cond3A_93 {
        %dma_wait3A_103 = arith.constant 0 : i32
        %dma_wait3A_104 = tpu.memref_slice %arg10[%add3A_86, %dma_wait3A_103] : memref<79x128xi32, #tpu.memory_space<vmem>> -> memref<1x128xi32, #tpu.memory_space<vmem>>
        %dma_wait3A_105 = tpu.memref_squeeze %dma_wait3A_104 : memref<1x128xi32, #tpu.memory_space<vmem>> -> memref<128xi32, #tpu.memory_space<vmem>>
        %dma_wait3A_106 = arith.constant 0 : i32
        %dma_wait3A_107 = arith.constant 0 : i32
        %dma_wait3A_108 = tpu.memref_slice %arg14[%dma_wait3A_106, %dma_wait3A_107] : memref<10240x64xf32, #tpu.memory_space<vmem_shared>> -> memref<10240x64xf32, #tpu.memory_space<vmem_shared>>
        tpu.wait_indirect_dma semaphore(%arg17 : memref<!tpu.dma_semaphore, #tpu.memory_space<semaphore_mem>>) src(%arg11 : memref<128x64xf32, #tpu.memory_space<vmem>>) dst(%dma_wait3A_108 : memref<10240x64xf32, #tpu.memory_space<vmem_shared>>)
        %add3A_109 = arith.constant 2 : i32
        %add3A_110 = arith.addi %add3A_86, %add3A_109 : i32
        %dma_start3A_111 = arith.constant 0 : i32
        %dma_start3A_112 = tpu.memref_slice %arg9[%add3A_110, %dma_start3A_111] : memref<79x128xi32, #tpu.memory_space<vmem>> -> memref<1x128xi32, #tpu.memory_space<vmem>>
        %dma_start3A_113 = tpu.memref_squeeze %dma_start3A_112 : memref<1x128xi32, #tpu.memory_space<vmem>> -> memref<128xi32, #tpu.memory_space<vmem>>
        %dma_start3A_114 = arith.constant 0 : i32
        %dma_start3A_115 = arith.constant 0 : i32
        %dma_start3A_116 = tpu.memref_slice %arg13[%dma_start3A_114, %dma_start3A_115] : memref<10240x64xf32, #tpu.memory_space<vmem_shared>> -> memref<10240x64xf32, #tpu.memory_space<vmem_shared>>
        tpu.enqueue_indirect_dma source(%dma_start3A_116 : memref<10240x64xf32, #tpu.memory_space<vmem_shared>>) target(%arg11 : memref<128x64xf32, #tpu.memory_space<vmem>>) offsets(%dma_start3A_113 : memref<128xi32, #tpu.memory_space<vmem>>) semaphore(%arg15 : memref<!tpu.dma_semaphore, #tpu.memory_space<semaphore_mem>>)
      } else {
      }
      %add3A_94 = arith.constant 1 : i32
      %add3A_95 = arith.addi %add3A_73, %add3A_94 : i32
      %add3A_96 = arith.constant 2 : i32
      %add3A_97 = arith.addi %add3A_95, %add3A_96 : i32
      %lt3A_98 = arith.constant 79 : i32
      %lt3A_99 = arith.cmpi slt, %add3A_97, %lt3A_98 : i32
      %convert_element_type3A_100 = arith.extui %lt3A_99 : i1 to i32
      %cond3A_101 = arith.constant 0 : i32
      %cond3A_102 = arith.cmpi ne, %convert_element_type3A_100, %cond3A_101 : i32
      scf.if %cond3A_102 {
        %dma_wait3A_103 = arith.constant 0 : i32
        %dma_wait3A_104 = tpu.memref_slice %arg10[%add3A_95, %dma_wait3A_103] : memref<79x128xi32, #tpu.memory_space<vmem>> -> memref<1x128xi32, #tpu.memory_space<vmem>>
        %dma_wait3A_105 = tpu.memref_squeeze %dma_wait3A_104 : memref<1x128xi32, #tpu.memory_space<vmem>> -> memref<128xi32, #tpu.memory_space<vmem>>
        %dma_wait3A_106 = arith.constant 0 : i32
        %dma_wait3A_107 = arith.constant 0 : i32
        %dma_wait3A_108 = tpu.memref_slice %arg14[%dma_wait3A_106, %dma_wait3A_107] : memref<10240x64xf32, #tpu.memory_space<vmem_shared>> -> memref<10240x64xf32, #tpu.memory_space<vmem_shared>>
        tpu.wait_indirect_dma semaphore(%arg18 : memref<!tpu.dma_semaphore, #tpu.memory_space<semaphore_mem>>) src(%arg12 : memref<128x64xf32, #tpu.memory_space<vmem>>) dst(%dma_wait3A_108 : memref<10240x64xf32, #tpu.memory_space<vmem_shared>>)
        %add3A_109 = arith.constant 2 : i32
        %add3A_110 = arith.addi %add3A_95, %add3A_109 : i32
        %dma_start3A_111 = arith.constant 0 : i32
        %dma_start3A_112 = tpu.memref_slice %arg9[%add3A_110, %dma_start3A_111] : memref<79x128xi32, #tpu.memory_space<vmem>> -> memref<1x128xi32, #tpu.memory_space<vmem>>
        %dma_start3A_113 = tpu.memref_squeeze %dma_start3A_112 : memref<1x128xi32, #tpu.memory_space<vmem>> -> memref<128xi32, #tpu.memory_space<vmem>>
        %dma_start3A_114 = arith.constant 0 : i32
        %dma_start3A_115 = arith.constant 0 : i32
        %dma_start3A_116 = tpu.memref_slice %arg13[%dma_start3A_114, %dma_start3A_115] : memref<10240x64xf32, #tpu.memory_space<vmem_shared>> -> memref<10240x64xf32, #tpu.memory_space<vmem_shared>>
        tpu.enqueue_indirect_dma source(%dma_start3A_116 : memref<10240x64xf32, #tpu.memory_space<vmem_shared>>) target(%arg12 : memref<128x64xf32, #tpu.memory_space<vmem>>) offsets(%dma_start3A_113 : memref<128xi32, #tpu.memory_space<vmem>>) semaphore(%arg16 : memref<!tpu.dma_semaphore, #tpu.memory_space<semaphore_mem>>)
      } else {
      }
    }
    %scan3A_53 = arith.constant 40 : i32
    %dma_wait3A_54 = arith.constant 78 : i32
    %dma_wait3A_55 = arith.constant 0 : i32
    %dma_wait3A_56 = tpu.memref_slice %arg10[%dma_wait3A_54, %dma_wait3A_55] : memref<79x128xi32, #tpu.memory_space<vmem>> -> memref<1x128xi32, #tpu.memory_space<vmem>>
    %dma_wait3A_57 = tpu.memref_squeeze %dma_wait3A_56 : memref<1x128xi32, #tpu.memory_space<vmem>> -> memref<128xi32, #tpu.memory_space<vmem>>
    %dma_wait3A_58 = arith.constant 0 : i32
    %dma_wait3A_59 = arith.constant 0 : i32
    %dma_wait3A_60 = tpu.memref_slice %arg14[%dma_wait3A_58, %dma_wait3A_59] : memref<10240x64xf32, #tpu.memory_space<vmem_shared>> -> memref<10240x64xf32, #tpu.memory_space<vmem_shared>>
    tpu.wait_indirect_dma semaphore(%arg17 : memref<!tpu.dma_semaphore, #tpu.memory_space<semaphore_mem>>) src(%arg11 : memref<128x64xf32, #tpu.memory_space<vmem>>) dst(%dma_wait3A_60 : memref<10240x64xf32, #tpu.memory_space<vmem_shared>>)
    %dma_wait3A_61 = arith.constant 77 : i32
    %dma_wait3A_62 = arith.constant 0 : i32
    %dma_wait3A_63 = tpu.memref_slice %arg10[%dma_wait3A_61, %dma_wait3A_62] : memref<79x128xi32, #tpu.memory_space<vmem>> -> memref<1x128xi32, #tpu.memory_space<vmem>>
    %dma_wait3A_64 = tpu.memref_squeeze %dma_wait3A_63 : memref<1x128xi32, #tpu.memory_space<vmem>> -> memref<128xi32, #tpu.memory_space<vmem>>
    %dma_wait3A_65 = arith.constant 0 : i32
    %dma_wait3A_66 = arith.constant 0 : i32
    %dma_wait3A_67 = tpu.memref_slice %arg14[%dma_wait3A_65, %dma_wait3A_66] : memref<10240x64xf32, #tpu.memory_space<vmem_shared>> -> memref<10240x64xf32, #tpu.memory_space<vmem_shared>>
    tpu.wait_indirect_dma semaphore(%arg18 : memref<!tpu.dma_semaphore, #tpu.memory_space<semaphore_mem>>) src(%arg12 : memref<128x64xf32, #tpu.memory_space<vmem>>) dst(%dma_wait3A_67 : memref<10240x64xf32, #tpu.memory_space<vmem_shared>>)
    %barrier3A_68 = arith.constant 0 : index
    tpu.barrier barrier_id(%barrier3A_68)
    "tpu.region"() ({
      %run_scoped3A = tpu.sem_alloc : memref<!tpu.dma_semaphore, #tpu.memory_space<semaphore_mem>>
      %dma_start3A_69 = arith.constant 0 : i32
      %dma_start3A_70 = tpu.memref_slice %arg8[%arg0, %mul3A_2, %dma_start3A_69] : memref<2x10240x64xf32, #tpu.memory_space<hbm>> -> memref<1x640x64xf32, #tpu.memory_space<hbm>>
      %dma_start3A_71 = tpu.memref_squeeze %dma_start3A_70 : memref<1x640x64xf32, #tpu.memory_space<hbm>> -> memref<640x64xf32, #tpu.memory_space<hbm>>
      %dma_start3A_72 = arith.constant 0 : i32
      %dma_start3A_73 = tpu.memref_slice %arg14[%mul3A_2, %dma_start3A_72] : memref<10240x64xf32, #tpu.memory_space<vmem_shared>> -> memref<640x64xf32, #tpu.memory_space<vmem_shared>>
      tpu.enqueue_dma source(%dma_start3A_73 : memref<640x64xf32, #tpu.memory_space<vmem_shared>>) target(%dma_start3A_71 : memref<640x64xf32, #tpu.memory_space<hbm>>) target_semaphore(%run_scoped3A : memref<!tpu.dma_semaphore, #tpu.memory_space<semaphore_mem>>)
      %dma_wait3A_74 = arith.constant 0 : i32
      %dma_wait3A_75 = tpu.memref_slice %arg8[%arg0, %mul3A_2, %dma_wait3A_74] : memref<2x10240x64xf32, #tpu.memory_space<hbm>> -> memref<1x640x64xf32, #tpu.memory_space<hbm>>
      %dma_wait3A_76 = tpu.memref_squeeze %dma_wait3A_75 : memref<1x640x64xf32, #tpu.memory_space<hbm>> -> memref<640x64xf32, #tpu.memory_space<hbm>>
      %dma_wait3A_77 = arith.constant 0 : i32
      %dma_wait3A_78 = tpu.memref_slice %arg14[%mul3A_2, %dma_wait3A_77] : memref<10240x64xf32, #tpu.memory_space<vmem_shared>> -> memref<640x64xf32, #tpu.memory_space<vmem_shared>>
      tpu.wait_dma2 semaphore(%run_scoped3A : memref<!tpu.dma_semaphore, #tpu.memory_space<semaphore_mem>>) src(%dma_wait3A_78 : memref<640x64xf32, #tpu.memory_space<vmem_shared>>) dst(%dma_wait3A_76 : memref<640x64xf32, #tpu.memory_space<hbm>>)
      tpu.yield
    }) : () -> ()
    return
  }
}

module attributes {stable_mosaic.version = 14 : i64} {
  func.func @_mmul_body(%arg0: i32, %arg1: memref<1024x128xf32, #tpu.memory_space<vmem>>, %arg2: memref<128x64xf32, #tpu.memory_space<vmem>>, %arg3: memref<1024x64xf32, #tpu.memory_space<vmem>>) attributes {dimension_semantics = [#tpu.dimension_semantics<arbitrary>], iteration_bounds = array<i64: 10>, scalar_prefetch = 0 : i64, scratch_operands = 0 : i64, tpu.core_type = #tpu.core_type<tc>, window_params = [{transform_indices = @transform_0, window_bounds = array<i64: 1024, 128>}, {pipeline_mode = #tpu.pipeline_mode<synchronous>, transform_indices = @transform_1, window_bounds = array<i64: 128, 64>}, {transform_indices = @transform_2, window_bounds = array<i64: 1024, 64>}]} {
    %get3A = arith.constant 0 : index
    %get3A_0 = arith.constant 0 : index
    %get3A_1 = vector.load %arg1[%get3A, %get3A_0] : memref<1024x128xf32, #tpu.memory_space<vmem>>, vector<1024x128xf32>
    %get3A_2 = arith.constant 0 : index
    %get3A_3 = arith.constant 0 : index
    %get3A_4 = vector.load %arg2[%get3A_2, %get3A_3] : memref<128x64xf32, #tpu.memory_space<vmem>>, vector<128x64xf32>
    %dot_general3A = arith.constant dense<0.000000e+00> : vector<1024x64xf32>
    %dot_general3A_5 = tpu.matmul %get3A_1, %get3A_4, %dot_general3A {dimension_numbers = #tpu.dot_dimension_numbers<[1], [0], [0], [1], [0, 0, 1, 1], [], []>, transpose_lhs_hint = false} : vector<1024x128xf32>, vector<128x64xf32>, vector<1024x64xf32> -> vector<1024x64xf32>
    %swap3A = arith.constant 0 : index
    %swap3A_6 = arith.constant 0 : index
    %swap3A_7 = vector.load %arg3[%swap3A, %swap3A_6] : memref<1024x64xf32, #tpu.memory_space<vmem>>, vector<1024x64xf32>
    tpu.vector_store %arg3[%swap3A, %swap3A_6], %dot_general3A_5 {strides = array<i32>} : memref<1024x64xf32, #tpu.memory_space<vmem>>, vector<1024x64xf32>,
    return
  }
  func.func @transform_0(%arg0: i32) -> (i32, i32) {
    %c0_i32 = arith.constant 0 : i32
    %c0_i32_0 = arith.constant 0 : i32
    return %arg0, %c0_i32 : i32, i32
  }
  func.func @transform_1(%arg0: i32) -> (i32, i32) {
    %c0_i32 = arith.constant 0 : i32
    %c0_i32_0 = arith.constant 0 : i32
    %c0_i32_1 = arith.constant 0 : i32
    return %c0_i32, %c0_i32_0 : i32, i32
  }
  func.func @transform_2(%arg0: i32) -> (i32, i32) {
    %c0_i32 = arith.constant 0 : i32
    %c0_i32_0 = arith.constant 0 : i32
    return %arg0, %c0_i32 : i32, i32
  }
}

module attributes {stable_mosaic.version = 14 : i64} {
  func.func @_scale_body(%arg0: i32, %arg1: memref<1024x64xf32, #tpu.memory_space<vmem>>, %arg2: memref<2x1024x16xf32, #tpu.memory_space<vmem>>, %arg3: memref<1024x64xf32, #tpu.memory_space<vmem>>) attributes {dimension_semantics = [#tpu.dimension_semantics<arbitrary>], iteration_bounds = array<i64: 10>, scalar_prefetch = 0 : i64, scratch_operands = 0 : i64, tpu.core_type = #tpu.core_type<tc>, window_params = [{transform_indices = @transform_0, window_bounds = array<i64: 1024, 64>}, {transform_indices = @transform_1, window_bounds = array<i64: 2, 1024, 16>}, {transform_indices = @transform_2, window_bounds = array<i64: 1024, 64>}]} {
    %get3A = arith.constant 0 : index
    %get3A_0 = arith.constant 0 : index
    %get3A_1 = vector.load %arg1[%get3A, %get3A_0] : memref<1024x64xf32, #tpu.memory_space<vmem>>, vector<1024x64xf32>
    %get3A_2 = arith.constant 0 : index
    %get3A_3 = arith.constant 0 : index
    %get3A_4 = arith.constant 0 : index
    %get3A_5 = vector.load %arg2[%get3A_2, %get3A_3, %get3A_4] : memref<2x1024x16xf32, #tpu.memory_space<vmem>>, vector<1x1024x1xf32>
    %get3A_6 = vector.shape_cast %get3A_5 : vector<1x1024x1xf32> to vector<1024x1xf32>
    %get3A_7 = arith.constant 1 : index
    %get3A_8 = arith.constant 0 : index
    %get3A_9 = arith.constant 0 : index
    %get3A_10 = vector.load %arg2[%get3A_7, %get3A_8, %get3A_9] : memref<2x1024x16xf32, #tpu.memory_space<vmem>>, vector<1x1024x1xf32>
    %get3A_11 = vector.shape_cast %get3A_10 : vector<1x1024x1xf32> to vector<1024x1xf32>
    %add3A = arith.addf %get3A_6, %get3A_11 : vector<1024x1xf32>
    %add3A_12 = arith.constant 1.000000e+00 : f32
    %add3A_13 = vector.broadcast %add3A_12 : f32 to vector<1024x1xf32>
    %add3A_14 = arith.addf %add3A, %add3A_13 : vector<1024x1xf32>
    %rsqrt3A = math.rsqrt %add3A_14 : vector<1024x1xf32>
    %mul3A = vector.broadcast %rsqrt3A : vector<1024x1xf32> to vector<1024x64xf32>
    %mul3A_15 = arith.mulf %get3A_1, %mul3A : vector<1024x64xf32>
    %swap3A = arith.constant 0 : index
    %swap3A_16 = arith.constant 0 : index
    %swap3A_17 = vector.load %arg3[%swap3A, %swap3A_16] : memref<1024x64xf32, #tpu.memory_space<vmem>>, vector<1024x64xf32>
    tpu.vector_store %arg3[%swap3A, %swap3A_16], %mul3A_15 {strides = array<i32>} : memref<1024x64xf32, #tpu.memory_space<vmem>>, vector<1024x64xf32>,
    return
  }
  func.func @transform_0(%arg0: i32) -> (i32, i32) {
    %c0_i32 = arith.constant 0 : i32
    %c0_i32_0 = arith.constant 0 : i32
    return %arg0, %c0_i32 : i32, i32
  }
  func.func @transform_1(%arg0: i32) -> (i32, i32, i32) {
    %c0_i32 = arith.constant 0 : i32
    %c0_i32_0 = arith.constant 0 : i32
    %c0_i32_1 = arith.constant 0 : i32
    return %c0_i32, %arg0, %c0_i32_0 : i32, i32, i32
  }
  func.func @transform_2(%arg0: i32) -> (i32, i32) {
    %c0_i32 = arith.constant 0 : i32
    %c0_i32_0 = arith.constant 0 : i32
    return %arg0, %c0_i32 : i32, i32
  }
}

module attributes {stable_mosaic.version = 14 : i64} {
  func.func @_mid_body(%arg0: i32, %arg1: memref<2x1024x64xf32, #tpu.memory_space<vmem>>, %arg2: memref<1024x64xf32, #tpu.memory_space<vmem>>, %arg3: memref<2x1024x16xf32, #tpu.memory_space<vmem>>, %arg4: memref<64x128xf32, #tpu.memory_space<vmem>>, %arg5: memref<1x64xf32, #tpu.memory_space<vmem>>, %arg6: memref<1024x64xf32, #tpu.memory_space<vmem>>, %arg7: memref<1024x64xf32, #tpu.memory_space<vmem>>) attributes {dimension_semantics = [#tpu.dimension_semantics<arbitrary>], iteration_bounds = array<i64: 10>, scalar_prefetch = 0 : i64, scratch_operands = 0 : i64, tpu.core_type = #tpu.core_type<tc>, window_params = [{transform_indices = @transform_0, window_bounds = array<i64: 2, 1024, 64>}, {transform_indices = @transform_1, window_bounds = array<i64: 1024, 64>}, {transform_indices = @transform_2, window_bounds = array<i64: 2, 1024, 16>}, {pipeline_mode = #tpu.pipeline_mode<synchronous>, transform_indices = @transform_3, window_bounds = array<i64: 64, 128>}, {pipeline_mode = #tpu.pipeline_mode<synchronous>, transform_indices = @transform_4, window_bounds = array<i64: 1, 64>}, {transform_indices = @transform_5, window_bounds = array<i64: 1024, 64>}, {transform_indices = @transform_6, window_bounds = array<i64: 1024, 64>}]} {
    %get3A = arith.constant 0 : index
    %get3A_0 = arith.constant 0 : index
    %get3A_1 = arith.constant 0 : index
    %get3A_2 = vector.load %arg3[%get3A, %get3A_0, %get3A_1] : memref<2x1024x16xf32, #tpu.memory_space<vmem>>, vector<1x1024x1xf32>
    %get3A_3 = vector.shape_cast %get3A_2 : vector<1x1024x1xf32> to vector<1024x1xf32>
    %get3A_4 = arith.constant 1 : index
    %get3A_5 = arith.constant 0 : index
    %get3A_6 = arith.constant 0 : index
    %get3A_7 = vector.load %arg3[%get3A_4, %get3A_5, %get3A_6] : memref<2x1024x16xf32, #tpu.memory_space<vmem>>, vector<1x1024x1xf32>
    %get3A_8 = vector.shape_cast %get3A_7 : vector<1x1024x1xf32> to vector<1024x1xf32>
    %add3A = arith.addf %get3A_3, %get3A_8 : vector<1024x1xf32>
    %add3A_9 = arith.constant 1.000000e+00 : f32
    %add3A_10 = vector.broadcast %add3A_9 : f32 to vector<1024x1xf32>
    %add3A_11 = arith.addf %add3A, %add3A_10 : vector<1024x1xf32>
    %rsqrt3A = math.rsqrt %add3A_11 : vector<1024x1xf32>
    %get3A_12 = arith.constant 0 : index
    %get3A_13 = arith.constant 0 : index
    %get3A_14 = arith.constant 0 : index
    %get3A_15 = vector.load %arg1[%get3A_12, %get3A_13, %get3A_14] : memref<2x1024x64xf32, #tpu.memory_space<vmem>>, vector<1x1024x64xf32>
    %get3A_16 = vector.shape_cast %get3A_15 : vector<1x1024x64xf32> to vector<1024x64xf32>
    %get3A_17 = arith.constant 1 : index
    %get3A_18 = arith.constant 0 : index
    %get3A_19 = arith.constant 0 : index
    %get3A_20 = vector.load %arg1[%get3A_17, %get3A_18, %get3A_19] : memref<2x1024x64xf32, #tpu.memory_space<vmem>>, vector<1x1024x64xf32>
    %get3A_21 = vector.shape_cast %get3A_20 : vector<1x1024x64xf32> to vector<1024x64xf32>
    %add3A_22 = arith.addf %get3A_16, %get3A_21 : vector<1024x64xf32>
    %get3A_23 = arith.constant 0 : index
    %get3A_24 = arith.constant 0 : index
    %get3A_25 = vector.load %arg2[%get3A_23, %get3A_24] : memref<1024x64xf32, #tpu.memory_space<vmem>>, vector<1024x64xf32>
    %add3A_26 = arith.addf %add3A_22, %get3A_25 : vector<1024x64xf32>
    %mul3A = vector.broadcast %rsqrt3A : vector<1024x1xf32> to vector<1024x64xf32>
    %mul3A_27 = arith.mulf %add3A_26, %mul3A : vector<1024x64xf32>
    %get3A_28 = arith.constant 0 : index
    %get3A_29 = arith.constant 0 : index
    %get3A_30 = vector.load %arg5[%get3A_28, %get3A_29] : memref<1x64xf32, #tpu.memory_space<vmem>>, vector<1x64xf32>
    %add3A_31 = vector.broadcast %get3A_30 : vector<1x64xf32> to vector<1024x64xf32>
    %add3A_32 = arith.addf %mul3A_27, %add3A_31 : vector<1024x64xf32>
    %max3A = arith.constant 0.000000e+00 : f32
    %max3A_33 = vector.broadcast %max3A : f32 to vector<1024x64xf32>
    %max3A_34 = arith.maximumf %add3A_32, %max3A_33 : vector<1024x64xf32>
    %get3A_35 = arith.constant 0 : index
    %get3A_36 = arith.constant 0 : index
    %get3A_37 = vector.load %arg4[%get3A_35, %get3A_36] : memref<64x128xf32, #tpu.memory_space<vmem>>, vector<64x128xf32>
    %dot_general3A = arith.constant dense<0.000000e+00> : vector<1024x128xf32>
    %dot_general3A_38 = tpu.matmul %max3A_34, %get3A_37, %dot_general3A {dimension_numbers = #tpu.dot_dimension_numbers<[1], [0], [0], [1], [0, 0, 1, 1], [], []>, transpose_lhs_hint = false} : vector<1024x64xf32>, vector<64x128xf32>, vector<1024x128xf32> -> vector<1024x128xf32>
    %mul3A_39 = vector.broadcast %rsqrt3A : vector<1024x1xf32> to vector<1024x128xf32>
    %mul3A_40 = arith.mulf %dot_general3A_38, %mul3A_39 : vector<1024x128xf32>
    %slice3A = vector.extract_strided_slice %mul3A_40 {offsets = [0, 0], sizes = [1024, 64], strides = [1, 1]} : vector<1024x128xf32> to vector<1024x64xf32>
    %swap3A = arith.constant 0 : index
    %swap3A_41 = arith.constant 0 : index
    %swap3A_42 = vector.load %arg6[%swap3A, %swap3A_41] : memref<1024x64xf32, #tpu.memory_space<vmem>>, vector<1024x64xf32>
    tpu.vector_store %arg6[%swap3A, %swap3A_41], %slice3A {strides = array<i32>} : memref<1024x64xf32, #tpu.memory_space<vmem>>, vector<1024x64xf32>,
    %slice3A_43 = vector.extract_strided_slice %mul3A_40 {offsets = [0, 64], sizes = [1024, 64], strides = [1, 1]} : vector<1024x128xf32> to vector<1024x64xf32>
    %swap3A_44 = arith.constant 0 : index
    %swap3A_45 = arith.constant 0 : index
    %swap3A_46 = vector.load %arg7[%swap3A_44, %swap3A_45] : memref<1024x64xf32, #tpu.memory_space<vmem>>, vector<1024x64xf32>
    tpu.vector_store %arg7[%swap3A_44, %swap3A_45], %slice3A_43 {strides = array<i32>} : memref<1024x64xf32, #tpu.memory_space<vmem>>, vector<1024x64xf32>,
    return
  }
  func.func @transform_0(%arg0: i32) -> (i32, i32, i32) {
    %c0_i32 = arith.constant 0 : i32
    %c0_i32_0 = arith.constant 0 : i32
    %c0_i32_1 = arith.constant 0 : i32
    return %c0_i32, %arg0, %c0_i32_0 : i32, i32, i32
  }
  func.func @transform_1(%arg0: i32) -> (i32, i32) {
    %c0_i32 = arith.constant 0 : i32
    %c0_i32_0 = arith.constant 0 : i32
    return %arg0, %c0_i32 : i32, i32
  }
  func.func @transform_2(%arg0: i32) -> (i32, i32, i32) {
    %c0_i32 = arith.constant 0 : i32
    %c0_i32_0 = arith.constant 0 : i32
    %c0_i32_1 = arith.constant 0 : i32
    return %c0_i32, %arg0, %c0_i32_0 : i32, i32, i32
  }
  func.func @transform_3(%arg0: i32) -> (i32, i32) {
    %c0_i32 = arith.constant 0 : i32
    %c0_i32_0 = arith.constant 0 : i32
    %c0_i32_1 = arith.constant 0 : i32
    return %c0_i32, %c0_i32_0 : i32, i32
  }
  func.func @transform_4(%arg0: i32) -> (i32, i32) {
    %c0_i32 = arith.constant 0 : i32
    %c0_i32_0 = arith.constant 0 : i32
    %c0_i32_1 = arith.constant 0 : i32
    return %c0_i32, %c0_i32_0 : i32, i32
  }
  func.func @transform_5(%arg0: i32) -> (i32, i32) {
    %c0_i32 = arith.constant 0 : i32
    %c0_i32_0 = arith.constant 0 : i32
    return %arg0, %c0_i32 : i32, i32
  }
  func.func @transform_6(%arg0: i32) -> (i32, i32) {
    %c0_i32 = arith.constant 0 : i32
    %c0_i32_0 = arith.constant 0 : i32
    return %arg0, %c0_i32 : i32, i32
  }
}

module attributes {stable_mosaic.version = 14 : i64} {
  func.func @_out_body(%arg0: i32, %arg1: memref<2x1024x64xf32, #tpu.memory_space<vmem>>, %arg2: memref<2x1024x64xf32, #tpu.memory_space<vmem>>, %arg3: memref<1024x64xf32, #tpu.memory_space<vmem>>, %arg4: memref<1024x64xf32, #tpu.memory_space<vmem>>, %arg5: memref<2x1024x16xf32, #tpu.memory_space<vmem>>, %arg6: memref<1x128xf32, #tpu.memory_space<vmem>>, %arg7: memref<1024x128xf32, #tpu.memory_space<vmem>>) attributes {dimension_semantics = [#tpu.dimension_semantics<arbitrary>], iteration_bounds = array<i64: 10>, scalar_prefetch = 0 : i64, scratch_operands = 0 : i64, tpu.core_type = #tpu.core_type<tc>, window_params = [{transform_indices = @transform_0, window_bounds = array<i64: 2, 1024, 64>}, {transform_indices = @transform_1, window_bounds = array<i64: 2, 1024, 64>}, {transform_indices = @transform_2, window_bounds = array<i64: 1024, 64>}, {transform_indices = @transform_3, window_bounds = array<i64: 1024, 64>}, {transform_indices = @transform_4, window_bounds = array<i64: 2, 1024, 16>}, {pipeline_mode = #tpu.pipeline_mode<synchronous>, transform_indices = @transform_5, window_bounds = array<i64: 1, 128>}, {transform_indices = @transform_6, window_bounds = array<i64: 1024, 128>}]} {
    %get3A = arith.constant 0 : index
    %get3A_0 = arith.constant 0 : index
    %get3A_1 = arith.constant 0 : index
    %get3A_2 = vector.load %arg5[%get3A, %get3A_0, %get3A_1] : memref<2x1024x16xf32, #tpu.memory_space<vmem>>, vector<1x1024x1xf32>
    %get3A_3 = vector.shape_cast %get3A_2 : vector<1x1024x1xf32> to vector<1024x1xf32>
    %get3A_4 = arith.constant 1 : index
    %get3A_5 = arith.constant 0 : index
    %get3A_6 = arith.constant 0 : index
    %get3A_7 = vector.load %arg5[%get3A_4, %get3A_5, %get3A_6] : memref<2x1024x16xf32, #tpu.memory_space<vmem>>, vector<1x1024x1xf32>
    %get3A_8 = vector.shape_cast %get3A_7 : vector<1x1024x1xf32> to vector<1024x1xf32>
    %add3A = arith.addf %get3A_3, %get3A_8 : vector<1024x1xf32>
    %add3A_9 = arith.constant 1.000000e+00 : f32
    %add3A_10 = vector.broadcast %add3A_9 : f32 to vector<1024x1xf32>
    %add3A_11 = arith.addf %add3A, %add3A_10 : vector<1024x1xf32>
    %rsqrt3A = math.rsqrt %add3A_11 : vector<1024x1xf32>
    %get3A_12 = arith.constant 0 : index
    %get3A_13 = arith.constant 0 : index
    %get3A_14 = arith.constant 0 : index
    %get3A_15 = vector.load %arg1[%get3A_12, %get3A_13, %get3A_14] : memref<2x1024x64xf32, #tpu.memory_space<vmem>>, vector<1x1024x64xf32>
    %get3A_16 = vector.shape_cast %get3A_15 : vector<1x1024x64xf32> to vector<1024x64xf32>
    %get3A_17 = arith.constant 1 : index
    %get3A_18 = arith.constant 0 : index
    %get3A_19 = arith.constant 0 : index
    %get3A_20 = vector.load %arg1[%get3A_17, %get3A_18, %get3A_19] : memref<2x1024x64xf32, #tpu.memory_space<vmem>>, vector<1x1024x64xf32>
    %get3A_21 = vector.shape_cast %get3A_20 : vector<1x1024x64xf32> to vector<1024x64xf32>
    %add3A_22 = arith.addf %get3A_16, %get3A_21 : vector<1024x64xf32>
    %get3A_23 = arith.constant 0 : index
    %get3A_24 = arith.constant 0 : index
    %get3A_25 = vector.load %arg3[%get3A_23, %get3A_24] : memref<1024x64xf32, #tpu.memory_space<vmem>>, vector<1024x64xf32>
    %add3A_26 = arith.addf %add3A_22, %get3A_25 : vector<1024x64xf32>
    %mul3A = vector.broadcast %rsqrt3A : vector<1024x1xf32> to vector<1024x64xf32>
    %mul3A_27 = arith.mulf %add3A_26, %mul3A : vector<1024x64xf32>
    %get3A_28 = arith.constant 0 : index
    %get3A_29 = arith.constant 0 : index
    %get3A_30 = vector.load %arg6[%get3A_28, %get3A_29] : memref<1x128xf32, #tpu.memory_space<vmem>>, vector<1x64xf32>
    %add3A_31 = vector.broadcast %get3A_30 : vector<1x64xf32> to vector<1024x64xf32>
    %add3A_32 = arith.addf %mul3A_27, %add3A_31 : vector<1024x64xf32>
    %swap3A = arith.constant 0 : index
    %swap3A_33 = arith.constant 0 : index
    %swap3A_34 = vector.load %arg7[%swap3A, %swap3A_33] : memref<1024x128xf32, #tpu.memory_space<vmem>>, vector<1024x64xf32>
    tpu.vector_store %arg7[%swap3A, %swap3A_33], %add3A_32 {strides = array<i32>} : memref<1024x128xf32, #tpu.memory_space<vmem>>, vector<1024x64xf32>,
    %get3A_35 = arith.constant 0 : index
    %get3A_36 = arith.constant 0 : index
    %get3A_37 = arith.constant 0 : index
    %get3A_38 = vector.load %arg2[%get3A_35, %get3A_36, %get3A_37] : memref<2x1024x64xf32, #tpu.memory_space<vmem>>, vector<1x1024x64xf32>
    %get3A_39 = vector.shape_cast %get3A_38 : vector<1x1024x64xf32> to vector<1024x64xf32>
    %get3A_40 = arith.constant 1 : index
    %get3A_41 = arith.constant 0 : index
    %get3A_42 = arith.constant 0 : index
    %get3A_43 = vector.load %arg2[%get3A_40, %get3A_41, %get3A_42] : memref<2x1024x64xf32, #tpu.memory_space<vmem>>, vector<1x1024x64xf32>
    %get3A_44 = vector.shape_cast %get3A_43 : vector<1x1024x64xf32> to vector<1024x64xf32>
    %add3A_45 = arith.addf %get3A_39, %get3A_44 : vector<1024x64xf32>
    %get3A_46 = arith.constant 0 : index
    %get3A_47 = arith.constant 0 : index
    %get3A_48 = vector.load %arg4[%get3A_46, %get3A_47] : memref<1024x64xf32, #tpu.memory_space<vmem>>, vector<1024x64xf32>
    %add3A_49 = arith.addf %add3A_45, %get3A_48 : vector<1024x64xf32>
    %mul3A_50 = vector.broadcast %rsqrt3A : vector<1024x1xf32> to vector<1024x64xf32>
    %mul3A_51 = arith.mulf %add3A_49, %mul3A_50 : vector<1024x64xf32>
    %get3A_52 = arith.constant 0 : index
    %get3A_53 = arith.constant 64 : index
    %get3A_54 = vector.load %arg6[%get3A_52, %get3A_53] : memref<1x128xf32, #tpu.memory_space<vmem>>, vector<1x64xf32>
    %add3A_55 = vector.broadcast %get3A_54 : vector<1x64xf32> to vector<1024x64xf32>
    %add3A_56 = arith.addf %mul3A_51, %add3A_55 : vector<1024x64xf32>
    %swap3A_57 = arith.constant 0 : index
    %swap3A_58 = arith.constant 64 : index
    %swap3A_59 = vector.load %arg7[%swap3A_57, %swap3A_58] : memref<1024x128xf32, #tpu.memory_space<vmem>>, vector<1024x64xf32>
    tpu.vector_store %arg7[%swap3A_57, %swap3A_58], %add3A_56 {strides = array<i32>} : memref<1024x128xf32, #tpu.memory_space<vmem>>, vector<1024x64xf32>,
    return
  }
  func.func @transform_0(%arg0: i32) -> (i32, i32, i32) {
    %c0_i32 = arith.constant 0 : i32
    %c0_i32_0 = arith.constant 0 : i32
    %c0_i32_1 = arith.constant 0 : i32
    return %c0_i32, %arg0, %c0_i32_0 : i32, i32, i32
  }
  func.func @transform_1(%arg0: i32) -> (i32, i32, i32) {
    %c0_i32 = arith.constant 0 : i32
    %c0_i32_0 = arith.constant 0 : i32
    %c0_i32_1 = arith.constant 0 : i32
    return %c0_i32, %arg0, %c0_i32_0 : i32, i32, i32
  }
  func.func @transform_2(%arg0: i32) -> (i32, i32) {
    %c0_i32 = arith.constant 0 : i32
    %c0_i32_0 = arith.constant 0 : i32
    return %arg0, %c0_i32 : i32, i32
  }
  func.func @transform_3(%arg0: i32) -> (i32, i32) {
    %c0_i32 = arith.constant 0 : i32
    %c0_i32_0 = arith.constant 0 : i32
    return %arg0, %c0_i32 : i32, i32
  }
  func.func @transform_4(%arg0: i32) -> (i32, i32, i32) {
    %c0_i32 = arith.constant 0 : i32
    %c0_i32_0 = arith.constant 0 : i32
    %c0_i32_1 = arith.constant 0 : i32
    return %c0_i32, %arg0, %c0_i32_0 : i32, i32, i32
  }
  func.func @transform_5(%arg0: i32) -> (i32, i32) {
    %c0_i32 = arith.constant 0 : i32
    %c0_i32_0 = arith.constant 0 : i32
    %c0_i32_1 = arith.constant 0 : i32
    return %c0_i32, %c0_i32_0 : i32, i32
  }
  func.func @transform_6(%arg0: i32) -> (i32, i32) {
    %c0_i32 = arith.constant 0 : i32
    %c0_i32_0 = arith.constant 0 : i32
    return %arg0, %c0_i32 : i32, i32
  }
}

</mosaic_0001>

<sc_bundles>
// kernel: kernel.12.cloned.1.call-start
scs
__scs_entry_jumppad:
0x0: {  	(pc) =	sbr.rel $0x88, $3  }
0x1: {  	(tag) =	ssettag $0x0;
	lr =	simm.s32 $0x1  }
0x2: {  	[smem:$0x3F9B] =	sst lr;
	_ =	strace $0xD0000000  }
0x3: {  	_ = 	snop  }
0x4: {  	_ = 	snop  }
0x5: {  	_ = 	snop  }
0x6: {  	_ = 	snop  }
0x7: {  	_ = 	snop  }
__scs_overlays_trampoline_lowered:
0x8: {  	[smem:$0x3FAA] =	sst s0  }
0x9: {  	[smem:$0x3FAB] =	sst s1  }
0xa: {  	[smem:$0x3FAC] =	sst s2  }
0xb: {  	[smem:$0x3FAD] =	sst s3  }
0xc: {  	[smem:$0x3FAE] =	sst s4  }
0xd: {  	[smem:$0x3FAF] =	sst s5  }
0xe: {  	[smem:$0x3FB0] =	sst s6  }
0xf: {  	[smem:$0x3FB1] =	sst s7  }
0x10: {  	[smem:$0x3FB2] =	sst s8  }
0x11: {  	[smem:$0x3FB3] =	sst s9;
	s0 =	simm.s32 @!p0 $0x0  }
0x12: {  	s1 =	sld [smem:$0x3F99];
	s0 =	simm.s32 @p0 $0x1  }
0x13: {  	[smem:$0x3FB4] =	sst s0;
	s0 =	simm.s32 @!p1 $0x0  }
0x14: {  	s2 =	sld [smem:$0x3F98];
	s0 =	simm.s32 @p1 $0x1  }
0x15: {  	[smem:$0x3FB5] =	sst s0;
	s0 =	simm.s32 @!p2 $0x0  }
0x16: {  	s3 =	sld [smem:$0x3FDB];
	s0 =	simm.s32 @p2 $0x1  }
0x17: {  	s4 =	simm.s32 $0x1BF5;
	[smem:$0x3FB7] =	sst s0  }
0x18: {  	s0 =	sld [smem:$0x3F9A];
	_ =	swait.ge [sflag:s4], $0x0  }
0x19: {  	s7 =	sld [smem:$0x3F9B]  }
0x1a: {  	s8 =	sadd.s32 $0xFFFFE003, lr  }
0x1b: {  	s9 =	sadd.s32 $0xFFFFFEF7, lr;
	s5 =	simm.s32 $0xFFFFFFFF;
	p2 =	slt.u32 s8, $0xFFFFF086  }
0x1c: {  	p1 =	slt.u32 s9, $0xF7A;
	s5 =	simm.s32 @!p2 $0x0  }
0x1d: {  	s5 =	simm.s32 @p1 $0x1;
	p0 =	seq.s32 s7, s2  }
0x1e: {  	s7 =	smul.u32 @!p0 $0xF7A, s2;
	p2 =	seq.s32 @!p0 s5, $0x0  }
0x1f: {  	s9 =	smul.u32 $0xF7A, s1;
	s8 =	simm.s32 @!p0 $0x1BF5;
	p2 =	por !p2, p0  }
0x20: {  	[sflag:s8] =	ssyncset.s32 @!p0 $0xFFFFF086;
	s6 =	sadd.s32 @!p0 s3, s7;
	s7 =	simm.s32 @!p0 $0x108  }
0x21: {  	s3 =	sadd.s32 s3, s9;
	s6 =	sadd.s32 @!p0 $0x88, s6;
	s7 =	simm.s32 @p2 $0x1082  }
0x22: {  	[simem:s7], [sflag:s8] =	dma.local @!p0 [hbm:s6], $0xF7A  }
0x23: {  	s9 =	sor.u32 $0xD0000000, s2;
	s6 =	simm.s32 $0x108;
	_ =	swait.ge @!p0 [sflag:s8], $0x0  }
0x24: {  	s3 =	sadd.s32 $0x88, s3;
	s6 =	simm.s32 @!p1 $0x1082;
	[sflag:s4] =	ssyncset.s32 $0xFFFFF086  }
0x25: {  	[simem:s6], [sflag:s4] =	dma.local [hbm:s3], $0xF7A  }
0x26: {  	[smem:$0x3F9B] =	sst s1;
	(tag) =	ssettag s2;
	_ =	strace s9  }
0x27: {  	s1 =	sld [smem:$0x3FAB]  }
0x28: {  	s2 =	sld [smem:$0x3FAC]  }
0x29: {  	s4 =	sld [smem:$0x3FAE]  }
0x2a: {  	p0 =	seq.s32 s5, $0x0;
	s5 =	sld [smem:$0x3FAF]  }
0x2b: {  	s6 =	sld [smem:$0x3FB0]  }
0x2c: {  	s7 =	sld [smem:$0x3FB1]  }
0x2d: {  	s3 =	simm.s32 $0x108;
	s8 =	sld [smem:$0x3FB2]  }
0x2e: {  	s3 =	simm.s32 @!p0 $0x1082;
	s9 =	sld [smem:$0x3FB3]  }
0x2f: {  	lr =	sadd.s32 s0, s3;
	s0 =	sld [smem:$0x3FAA]  }
0x30: {  	s3 =	sld [smem:$0x3FAD]  }
0x31: {  	[smem:$0x3FB6] =	sst s10  }
0x32: {  	s10 =	sld [smem:$0x3FB4];
	_ =	sdelay $0x3  }
0x33: {  	p0 =	seq.s32 s10, $0x1;
	s10 =	sld [smem:$0x3FB6];
	_ =	sdelay $0x3  }
0x34: {  	[smem:$0x3FB6] =	sst s10  }
0x35: {  	s10 =	sld [smem:$0x3FB5];
	_ =	sdelay $0x3  }
0x36: {  	p1 =	seq.s32 s10, $0x1;
	s10 =	sld [smem:$0x3FB6];
	_ =	sdelay $0x3  }
0x37: {  	[smem:$0x3FB6] =	sst s10  }
0x38: {  	s10 =	sld [smem:$0x3FB7]  }
0x39: {  	_ = 	snop;
	(pc) =	sbr.ind lr, $3  }
0x3a: {  	_ = 	snop  }
0x3b: {  	_ = 	snop  }
0x3c: {  	p2 =	seq.s32 s10, $0x1;
	s10 =	sld [smem:$0x3FB6]  }
0x3d: {  	_ =	shalt  }
0x3e: {  	_ =	shalt  }
0x3f: {  	_ =	shalt  }
0x40: {  	_ =	shalt  }
0x41: {  	_ =	shalt  }
0x42: {  	_ =	shalt  }
0x43: {  	_ =	shalt  }
0x44: {  	_ =	shalt  }
0x45: {  	_ =	shalt  }
0x46: {  	_ =	shalt  }
0x47: {  	_ =	shalt  }
0x48: {  	_ =	shalt  }
0x49: {  	_ =	shalt  }
0x4a: {  	_ =	shalt  }
0x4b: {  	_ =	shalt  }
0x4c: {  	_ =	shalt  }
0x4d: {  	_ =	shalt  }
0x4e: {  	_ =	shalt  }
0x4f: {  	_ =	shalt  }
0x50: {  	_ =	shalt  }
0x51: {  	_ =	shalt  }
0x52: {  	_ =	shalt  }
0x53: {  	_ =	shalt  }
0x54: {  	_ =	shalt  }
0x55: {  	_ =	shalt  }
0x56: {  	_ =	shalt  }
0x57: {  	_ =	shalt  }
0x58: {  	_ =	shalt  }
0x59: {  	_ =	shalt  }
0x5a: {  	_ =	shalt  }
0x5b: {  	_ =	shalt  }
0x5c: {  	_ =	shalt  }
0x5d: {  	_ =	shalt  }
0x5e: {  	_ =	shalt  }
0x5f: {  	_ =	shalt  }
0x60: {  	_ =	shalt  }
0x61: {  	_ =	shalt  }
0x62: {  	_ =	shalt  }
0x63: {  	_ =	shalt  }
0x64: {  	_ =	shalt  }
0x65: {  	_ =	shalt  }
0x66: {  	_ =	shalt  }
0x67: {  	_ =	shalt  }
0x68: {  	_ =	shalt  }
0x69: {  	_ =	shalt  }
0x6a: {  	_ =	shalt  }
0x6b: {  	_ =	shalt  }
0x6c: {  	_ =	shalt  }
0x6d: {  	_ =	shalt  }
0x6e: {  	_ =	shalt  }
0x6f: {  	_ =	shalt  }
0x70: {  	_ =	shalt  }
0x71: {  	_ =	shalt  }
0x72: {  	_ =	shalt  }
0x73: {  	_ =	shalt  }
0x74: {  	_ =	shalt  }
0x75: {  	_ =	shalt  }
0x76: {  	_ =	shalt  }
0x77: {  	_ =	shalt  }
0x78: {  	_ =	shalt  }
0x79: {  	_ =	shalt  }
0x7a: {  	_ =	shalt  }
0x7b: {  	_ =	shalt  }
0x7c: {  	_ =	shalt  }
0x7d: {  	_ =	shalt  }
0x7e: {  	_ =	shalt  }
0x7f: {  	_ =	shalt  }
0x80: {  	_ =	shalt  }
0x81: {  	_ =	shalt  }
0x82: {  	_ =	shalt  }
0x83: {  	_ =	shalt  }
0x84: {  	_ =	shalt  }
0x85: {  	_ =	shalt  }
0x86: {  	_ =	shalt  }
0x87: {  	_ =	shalt  }
.Lfunc_end0:
.L_simem_size_0:
called_computation.1_lowered:
.L_overlay_start_0:
0x88: {  	s2 =	sld [smem:$0x3FD9]  }
0x89: {  	s3 =	sld [smem:$0x3FFE];
	_ =	sdelay $0x1  }
0x8a: {  	s1 =	srdreg.scid  }
0x8b: {  	s0 =	sand.u32 $0x1, s1  }
0x8c: {  	s17 =	sshll.u32 s0, $0xA;
	s2 =	sadd.s32 s3, s2  }
0x8d: {  	s2 =	sadd.s32 s2, s17  }
0x8e: {  	[smem:$0x3FC2] =	sst s2  }
0x8f: {  	_ = 	snop  }
0x90: {  	s2 =	sld [smem:$0x3FD0];
	(tm) =	ssettm $0x1  }
0x91: {  	s18 =	sld [smem:$0x3FFB];
	_ =	sdelay $0x3  }
0x92: {  	_ =	strace s18  }
0x93: {  	s3 =	sld [smem:$0x3FFC];
	_ =	sdelay $0x3  }
0x94: {  	_ =	strace s3  }
0x95: {  	s3 =	sld [smem:$0x3FFD];
	_ =	sdelay $0x3  }
0x96: {  	_ =	strace s3  }
0x97: {  	_ =	strace $0x8FFFFFFF  }
0x98: {  	s19 =	sld [smem:$0x3FDB];
	_ =	sdelay $0x1  }
0x99: {  	s4 =	simm.s32 $_scs_section_size  }
0x9a: {  	s5 =	simm.s32 $_size__tile_overlayer_lowered;
	s6 =	simm.s32 $_tile_overlayer_lowered  }
0x9b: {  	s22 =	simm.s32 $0x1BFF;
	s21 =	sshll.u32 s6, $0x1;
	s3 =	sadd.s32 s4, s19  }
0x9c: {  	s7 =	simm.s32 $0x0;
	s20 =	sshll.u32 s5, $0x1;
	s5 =	sadd.s32 s21, s3  }
0x9d: {  	[timem:s7], [sflag:s22] =	dma.local [hbm:s5], s20  }
0x9e: {  	_ =	swait.ge [sflag:s22], s20  }
0x9f: {  	s4 =	ssub.s32 $0x0, s20;
	[sflag:s22] =	ssyncset.done $0x0  }
0xa0: {  	[sflag:s22] =	ssyncadd.s32 s4;
	_ =	sdelay $0x1  }
0xa1: {  	s23 =	simm.s32 $0x1B8B  }
0xa2: {  	_ =	swait.ge [sflag:s23], $0x1  }
0xa3: {  	[sflag:s23] =	ssyncset.done $0x0  }
0xa4: {  	s25 =	simm.s32 $0x1B8E;
	s24 =	sld [smem:$0x3FFE];
	[sflag:s23] =	ssyncadd.s32 $0xFFFFFFFF  }
0xa5: {  	s26 =	simm.s32 $execute0_lowered;
	[smem:$0x3FD2] =	sst s25  }
0xa6: {  	s5 =	sshll.u32 s26, $0x1;
	_ =	strace $0x80000049;
	[dreg:$0x1] =	wrdreg $0xFFFFFFFF  }
0xa7: {  	s28 =	simm.s32 $_size_execute0_lowered;
	s3 =	sadd.s32 s3, s5;
	[dreg:$0x0] =	wrdreg $0x0  }
0xa8: {  	s5 =	sshll.u32 s28, $0x1;
	[dreg:$0x2] =	wrdreg s3  }
0xa9: {  	[dreg:$0x3] =	wrdreg s5  }
0xaa: {  	[dreg:$0x4] =	wrdreg $0xC0  }
0xab: {  	_ =	task [dreg:s7], $0x5FFFF  }
0xac: {  	[dreg:$0x1] =	wrdreg $0xFFFFFFFF  }
0xad: {  	[dreg:$0x0] =	wrdreg $0x60  }
0xae: {  	[dreg:$0x2] =	wrdreg s2  }
0xaf: {  	[dreg:$0x3] =	wrdreg s24  }
0xb0: {  	[dreg:$0x4] =	wrdreg $0x8F000  }
0xb1: {  	[dreg:$0x5] =	wrdreg $0x12F000  }
0xb2: {  	[dreg:$0x6] =	wrdreg $0x9  }
0xb3: {  	_ =	task.clear_ibuf [dreg:s7], $0x7FFFF;
	_ =	strace $0x90000049  }
0xb4: {  	s29 =	simm.s32 $0x9;
	_ =	strace $0x8000004B  }
0xb5: {  	_ =	swait.ge [sflag:s29], $0x1  }
0xb6: {  	[sflag:s29] =	ssyncadd.s32 $0xFFFFFFFF  }
0xb7: {  	_ =	strace $0x9000004B  }
0xb8: {  	_ =	sfence  }
0xb9: {  	s30 =	sld [smem:$0x0];
	_ =	sdelay $0x2  }
0xba: {  	s31 =	sshll.u32 s1, $0xD;
	s1 =	sshrl.u32 s1, $0x2  }
0xbb: {  	s3 =	sand.u32 $0x4000, s31;
	s1 =	sadd.s32 s1, s30  }
0xbc: {  	s0 =	sor.u32 s3, s0;
	s1 =	sshll.u32 s1, $0x11  }
0xbd: {  	s0 =	sor.u32 s1, s0  }
0xbe: {  	s0 =	sadd.s32 $0x8F2B, s0  }
0xbf: {  	[sflag:s0] =	ssyncadd.remote.s32 $0x1  }
0xc0: {  	_ =	sfence.sel $0xFFFF  }
0xc1: {  	[dreg:$0x0] =	wrdreg $0xFFFFFFFF;
	(pc) =	sbr.abs _section_cstart, $3  }
0xc2: {  	[dreg:$0x1] =	wrdreg $0xFFFFFFFF  }
0xc3: {  	_ =	task.clear_ibuf [dreg:s7], $0x2FFFF;
	_ =	strace $0x9FFFFFFF  }
0xc4: {  	(tm) =	ssettm $0x7FFFFFFF  }
0xc5: {  	_ =	shalt  }
tec
execute0_lowered:
.L_overlay_start_1:
0x0: {  	(tag) =	ssettag $0x1  }
0x1: {  	s6 =	rddreg [dreg:$0x0]  }
0x2: {  	s7 =	rddreg [dreg:$0x1]  }
0x3: {  	s2 =	rddreg [dreg:$0x2]  }
0x4: {  	s0 =	srdreg.scid;
	s3 =	rddreg [dreg:$0x3];
	s4 =	simm.s32 $0x0  }
0x5: {  	s17 =	simm.s32 $0x4F00;
	s18 =	simm.s32 $0x6F00;
	s19 =	simm.s32 $0x1  }
0x6: {  	s20 =	simm.s32 $0x2;
	s21 =	simm.s32 $0x3;
	s22 =	simm.s32 $0x4  }
0x7: {  	s23 =	simm.s32 $0x4D80;
	s24 =	simm.s32 $0x4E00;
	s25 =	simm.s32 $0x2700  }
0x8: {  	s28 =	simm.s32 $0x0;
	s5 =	sand.u32 $0x1, s0;
	s0 =	stileid.u32  }
0x9: {  	[smem:$0x7FF] =	sst s4;
	s1 =	sshll.u32 s5, $0x4;
	s9 =	smul.u32 $0xA000, s0  }
0xa: {  	s10 =	smul.u32 $0xA0000, s5;
	s5 =	ssub.s32 $0x2, s5;
	s1 =	sor.u32 s0, s1  }
0xb: {  	s31 =	sshll.u32 s0, $0x6;
	s30 =	sshrl.u32 s5, $0x1;
	s8 =	smul.u32 $0x4F0, s1  }
0xc: {  	s1 =	rddreg [dreg:$0x4];
	_ =	strace $0x8000004A;
	s26 =	sadd.s32 s9, s10  }
0xd: {  	s29 =	sshrl.u32 s9, $0x3;
	s14 =	ssub.s32 s5, s30;
	s15 =	sadd.s32 s9, s2  }
0xe: {  	s16 =	sadd.s32 s9, s3;
	s12 =	sadd.s32 s29, s7;
	s5 =	sadd.s32 s6, s29  }
0xf: {  	s6 =	sor.u32 $0x1C05, s31;
	s11 =	sadd.s32 s8, s7;
	s8 =	sshrl.u32 s26, $0x3  }
0x10: {  	s26 =	simm.s32 $0x4E80;
	s13 =	sadd.s32 s8, s7;
	s7 =	sadd.s32 $0x92E00, s12  }
0x11: {  	s8 =	sadd.s32 $0x11000, s11;
	s9 =	sadd.s32 $0x2200, s11;
	s11 =	smax.u32 s14, $0x1  }
0x12: {  	s12 =	sshrl.u32 s15, $0x3;
	s14 =	sshrl.u32 s16, $0x3;
	s15 =	simm.s32 $0x2780  }
0x13: {  	s16 =	simm.s32 $0x80;
	s10 =	sadd.s32 $0xA6E00, s13;
	s13 =	simm.s32 $0x5  }
.LBB2_1:
0x14: {  	[spmem:s12], [sflag:s6] =	dma.local [hbm:s5], $0x1400  }
0x15: {  	_ =	swait.ge [sflag:s13], $0x1400  }
0x16: {  	[sflag:s13] =	ssyncset.done $0x0  }
0x17: {  	[sflag:s13] =	ssyncadd.s32 $0xFFFFEC00  }
0x18: {  	[spmem:s14], [sflag:s6] =	dma.local [hbm:s7], $0x1400  }
0x19: {  	_ =	swait.ge [sflag:s13], $0x1400  }
0x1a: {  	[sflag:s13] =	ssyncset.done $0x0  }
0x1b: {  	[sflag:s13] =	ssyncadd.s32 $0xFFFFEC00  }
0x1c: {  	[tilespmem:s4], [sflag:$0x5] =	stream.linear.gather [hbm4b:s8+s4], $0x2780, $0x38;
	[tilespmem:$0x1CF00] =	vst v63  }
0x1d: {  	_ =	swait.ge [sflag:s13], $0x2780  }
0x1e: {  	[sflag:s13] =	ssyncset.done $0x0  }
0x1f: {  	[sflag:s13] =	ssyncadd.s32 $0xFFFFD880  }
0x20: {  	[tilespmem:s15], [sflag:$0x5] =	stream.linear.gather [hbm4b:s9+s4], $0x2780, $0x38;
	[tilespmem:$0x1CF00] =	vst v63  }
0x21: {  	_ =	swait.ge [sflag:s13], $0x2780  }
0x22: {  	[sflag:s13] =	ssyncset.done $0x0  }
0x23: {  	[sflag:s13] =	ssyncadd.s32 $0xFFFFD880  }
0x24: {  	[bflag:$0x0] =	sbarrier.arrive $0xFFFF  }
0x25: {  	[tilespmem:s17], [sflag:$0x1] =	stream.indirect.gather [spmem:s2], $0x40, s4, s16, $0xb8;
	[tilespmem:$0x1CF00] =	vst v63  }
0x26: {  	_ = 	snop  }
0x27: {  	[tilespmem:s18], [sflag:$0x2] =	stream.indirect.gather [spmem:s2], $0x40, s16, s16, $0xb8;
	[tilespmem:$0x1CF00] =	vst v63  }
0x28: {  	_ =	swait.ge [sflag:s19], $0x2000  }
0x29: {  	[sflag:s19] =	ssyncset.done $0x0  }
0x2a: {  	s29 =	simm.s32 $0x2780;
	[sflag:s19] =	ssyncadd.s32 $0xFFFFE000  }
0x2b: {  	[spmem:s3] =	stream.indirect.scatter.add.f32 [tilespmem:s17], [sflag:$0x3], $0x40, s29, s16, $0xb8;
	[tilespmem:$0x1CF00] =	vst v63  }
0x2c: {  	_ =	swait.ge [sflag:s20], $0x2000  }
0x2d: {  	[sflag:s20] =	ssyncset.done $0x0  }
0x2e: {  	s29 =	simm.s32 $0x2800;
	[sflag:s20] =	ssyncadd.s32 $0xFFFFE000  }
0x2f: {  	[spmem:s3] =	stream.indirect.scatter.add.f32 [tilespmem:s18], [sflag:$0x4], $0x40, s29, s16, $0xb8;
	[tilespmem:$0x1CF00] =	vst v63  }
0x30: {  	_ =	swait.ge [sflag:s21], $0x2000  }
0x31: {  	[sflag:s21] =	ssyncset.done $0x0  }
0x32: {  	s29 =	simm.s32 $0x100;
	[sflag:s21] =	ssyncadd.s32 $0xFFFFE000  }
0x33: {  	[tilespmem:s17], [sflag:$0x1] =	stream.indirect.gather [spmem:s2], $0x40, s29, s16, $0xb8;
	[tilespmem:$0x1CF00] =	vst v63  }
0x34: {  	_ =	swait.ge [sflag:s22], $0x2000  }
0x35: {  	[sflag:s22] =	ssyncset.done $0x0  }
0x36: {  	s30 =	simm.s32 $0x180;
	s29 =	simm.s32 $0x400;
	[sflag:s22] =	ssyncadd.s32 $0xFFFFE000  }
.LBB2_2:
0x37: {  	[tilespmem:s18], [sflag:$0x2] =	stream.indirect.gather [spmem:s2], $0x40, s30, s16, $0xb8;
	[tilespmem:$0x1CF00] =	vst v63  }
0x38: {  	s30 =	smov.u32 s29  }
0x39: {  	p0 =	sne.s32 s29, $0x9400;
	s29 =	sadd.s32 $0x400, s29;
	_ =	swait.ge [sflag:s19], $0x2000  }
0x3a: {  	s30 =	sshra.s32 s30, $0x2;
	[sflag:s19] =	ssyncset.done $0x0  }
0x3b: {  	s31 =	sadd.s32 $0x2780, s30;
	[sflag:s19] =	ssyncadd.s32 $0xFFFFE000  }
0x3c: {  	[spmem:s3] =	stream.indirect.scatter.add.f32 [tilespmem:s17], [sflag:$0x3], $0x40, s31, s16, $0xb8;
	[tilespmem:$0x1CF00] =	vst v63  }
0x3d: {  	_ =	swait.ge [sflag:s20], $0x2000  }
0x3e: {  	[sflag:s20] =	ssyncset.done $0x0  }
0x3f: {  	s31 =	sadd.s32 $0x2800, s30;
	[sflag:s20] =	ssyncadd.s32 $0xFFFFE000  }
0x40: {  	[spmem:s3] =	stream.indirect.scatter.add.f32 [tilespmem:s18], [sflag:$0x4], $0x40, s31, s16, $0xb8;
	[tilespmem:$0x1CF00] =	vst v63  }
0x41: {  	_ =	swait.ge [sflag:s21], $0x2000  }
0x42: {  	[sflag:s21] =	ssyncset.done $0x0  }
.Ltmp0:
0x43: {  	s31 =	sadd.s32 $0x100, s30;
	[sflag:s21] =	ssyncadd.s32 $0xFFFFE000;
	(pc) =	sbr.rel @p0 .LBB2_2-.Ltmp0, $4  }
0x44: {  	[tilespmem:s17], [sflag:$0x1] =	stream.indirect.gather [spmem:s2], $0x40, s31, s16, $0xb8;
	[tilespmem:$0x1CF00] =	vst v63  }
0x45: {  	_ =	swait.ge [sflag:s22], $0x2000  }
0x46: {  	[sflag:s22] =	ssyncset.done $0x0  }
0x47: {  	s30 =	sadd.s32 $0x180, s30;
	[sflag:s22] =	ssyncadd.s32 $0xFFFFE000  }
0x48: {  	[tilespmem:s18], [sflag:$0x2] =	stream.indirect.gather [spmem:s2], $0x40, s30, s16, $0xb8;
	[tilespmem:$0x1CF00] =	vst v63  }
0x49: {  	_ =	swait.ge [sflag:s19], $0x2000  }
0x4a: {  	[sflag:s19] =	ssyncset.done $0x0  }
0x4b: {  	[sflag:s19] =	ssyncadd.s32 $0xFFFFE000  }
0x4c: {  	[spmem:s3] =	stream.indirect.scatter.add.f32 [tilespmem:s17], [sflag:$0x3], $0x40, s23, s16, $0xb8;
	[tilespmem:$0x1CF00] =	vst v63  }
0x4d: {  	_ =	swait.ge [sflag:s20], $0x2000  }
0x4e: {  	[sflag:s20] =	ssyncset.done $0x0  }
0x4f: {  	[sflag:s20] =	ssyncadd.s32 $0xFFFFE000  }
0x50: {  	[spmem:s3] =	stream.indirect.scatter.add.f32 [tilespmem:s18], [sflag:$0x4], $0x40, s24, s16, $0xb8;
	[tilespmem:$0x1CF00] =	vst v63  }
0x51: {  	_ =	swait.ge [sflag:s21], $0x2000  }
0x52: {  	[sflag:s21] =	ssyncset.done $0x0  }
0x53: {  	[sflag:s21] =	ssyncadd.s32 $0xFFFFE000  }
0x54: {  	[tilespmem:s17], [sflag:$0x1] =	stream.indirect.gather [spmem:s2], $0x40, s25, s16, $0xb8;
	[tilespmem:$0x1CF00] =	vst v63  }
0x55: {  	_ =	swait.ge [sflag:s19], $0x2000  }
0x56: {  	[sflag:s19] =	ssyncset.done $0x0  }
0x57: {  	[sflag:s19] =	ssyncadd.s32 $0xFFFFE000  }
0x58: {  	[spmem:s3] =	stream.indirect.scatter.add.f32 [tilespmem:s17], [sflag:$0x3], $0x40, s26, s16, $0xb8;
	[tilespmem:$0x1CF00] =	vst v63  }
0x59: {  	_ =	swait.ge [sflag:s21], $0x2000  }
0x5a: {  	[sflag:s21] =	ssyncset.done $0x0  }
0x5b: {  	[sflag:s21] =	ssyncadd.s32 $0xFFFFE000  }
0x5c: {  	_ =	swait.ge [sflag:s22], $0x2000  }
0x5d: {  	s28 =	sadd.s32 $0x1, s28;
	[sflag:s22] =	ssyncset.done $0x0  }
0x5e: {  	p0 =	sne.s32 s28, s11;
	[sflag:s22] =	ssyncadd.s32 $0xFFFFE000  }
.Ltmp1:
0x5f: {  	[bflag:$0x0] =	sbarrier.arrive $0xFFFF;
	(pc) =	sbr.rel @p0 .LBB2_1-.Ltmp1, $4  }
0x60: {  	[hbm:s10], [sflag:s6] =	dma.local [spmem:s14], $0x1400  }
0x61: {  	_ =	swait.ge [sflag:s13], $0x1400  }
0x62: {  	[sflag:s13] =	ssyncset.done $0x0  }
0x63: {  	[sflag:s13] =	ssyncadd.s32 $0xFFFFEC00  }
0x64: {  	_ =	sfence.sel $0x180000  }
0x65: {  	[bflag:$0x0] =	sbarrier.arrive $0xFFFF  }
0x66: {  	p0 =	sne.s32 s0, $0x0;
	_ =	strace $0x9000004A  }
0x67: {  	s0 =	sadd.s32 @!p0 $0x100000, s1;
	[bflag:$0x2] =	sbarrier.arrive $0xFFFF  }
0x68: {  	[sflag:s0] =	ssyncadd.tile.s32 @!p0 $0x1;
	_ =	shalt  }
.Lfunc_end2:
_tile_overlayer_lowered:
.L_overlay_start_2:
0x69: {  	(tag) =	ssettag $0x2  }
0x6a: {  	s0 =	rddreg [dreg:$0x0];
	s2 =	stileid.u32  }
0x6b: {  	s1 =	rddreg [dreg:$0x1];
	p0 =	sne.s32 s2, $0x0  }
0x6c: {  	s3 =	rddreg [dreg:$0x2];
	[bflag:$0x3] =	sbarrier.arrive $0xFFFF;
	s2 =	simm.s32 @!p0 $0x1C05  }
0x6d: {  	[timem:s3], [sflag:s2] =	dma.local @!p0 [hbm:s0], s1  }
0x6e: {  	s0 =	simm.s32 @!p0 $0x5  }
0x6f: {  	_ =	swait.ge @!p0 [sflag:s0], s1  }
0x70: {  	s1 =	ssub.s32 @!p0 $0x0, s1;
	[sflag:s0] =	ssyncset.done @!p0 $0x0  }
0x71: {  	[sflag:s0] =	ssyncadd.s32 @!p0 s1  }
0x72: {  	[bflag:$0x3] =	sbarrier.arrive $0xFFFF  }
0x73: {  	_ =	shalt  }

// kernel: kernel.15.cloned.1.call-start
scs
__scs_entry_jumppad:
0x0: {  	(pc) =	sbr.rel $0x88, $3  }
0x1: {  	(tag) =	ssettag $0x0;
	lr =	simm.s32 $0x1  }
0x2: {  	[smem:$0x3F9B] =	sst lr;
	_ =	strace $0xD0000000  }
0x3: {  	_ = 	snop  }
0x4: {  	_ = 	snop  }
0x5: {  	_ = 	snop  }
0x6: {  	_ = 	snop  }
0x7: {  	_ = 	snop  }
__scs_overlays_trampoline_lowered:
0x8: {  	[smem:$0x3FAA] =	sst s0  }
0x9: {  	[smem:$0x3FAB] =	sst s1  }
0xa: {  	[smem:$0x3FAC] =	sst s2  }
0xb: {  	[smem:$0x3FAD] =	sst s3  }
0xc: {  	[smem:$0x3FAE] =	sst s4  }
0xd: {  	[smem:$0x3FAF] =	sst s5  }
0xe: {  	[smem:$0x3FB0] =	sst s6  }
0xf: {  	[smem:$0x3FB1] =	sst s7  }
0x10: {  	[smem:$0x3FB2] =	sst s8  }
0x11: {  	[smem:$0x3FB3] =	sst s9;
	s0 =	simm.s32 @!p0 $0x0  }
0x12: {  	s1 =	sld [smem:$0x3F99];
	s0 =	simm.s32 @p0 $0x1  }
0x13: {  	[smem:$0x3FB4] =	sst s0;
	s0 =	simm.s32 @!p1 $0x0  }
0x14: {  	s2 =	sld [smem:$0x3F98];
	s0 =	simm.s32 @p1 $0x1  }
0x15: {  	[smem:$0x3FB5] =	sst s0;
	s0 =	simm.s32 @!p2 $0x0  }
0x16: {  	s3 =	sld [smem:$0x3FDB];
	s0 =	simm.s32 @p2 $0x1  }
0x17: {  	s4 =	simm.s32 $0x1BF5;
	[smem:$0x3FB7] =	sst s0  }
0x18: {  	s0 =	sld [smem:$0x3F9A];
	_ =	swait.ge [sflag:s4], $0x0  }
0x19: {  	s7 =	sld [smem:$0x3F9B]  }
0x1a: {  	s8 =	sadd.s32 $0xFFFFE003, lr  }
0x1b: {  	s9 =	sadd.s32 $0xFFFFFEF7, lr;
	s5 =	simm.s32 $0xFFFFFFFF;
	p2 =	slt.u32 s8, $0xFFFFF086  }
0x1c: {  	p1 =	slt.u32 s9, $0xF7A;
	s5 =	simm.s32 @!p2 $0x0  }
0x1d: {  	s5 =	simm.s32 @p1 $0x1;
	p0 =	seq.s32 s7, s2  }
0x1e: {  	s7 =	smul.u32 @!p0 $0xF7A, s2;
	p2 =	seq.s32 @!p0 s5, $0x0  }
0x1f: {  	s9 =	smul.u32 $0xF7A, s1;
	s8 =	simm.s32 @!p0 $0x1BF5;
	p2 =	por !p2, p0  }
0x20: {  	[sflag:s8] =	ssyncset.s32 @!p0 $0xFFFFF086;
	s6 =	sadd.s32 @!p0 s3, s7;
	s7 =	simm.s32 @!p0 $0x108  }
0x21: {  	s3 =	sadd.s32 s3, s9;
	s6 =	sadd.s32 @!p0 $0x88, s6;
	s7 =	simm.s32 @p2 $0x1082  }
0x22: {  	[simem:s7], [sflag:s8] =	dma.local @!p0 [hbm:s6], $0xF7A  }
0x23: {  	s9 =	sor.u32 $0xD0000000, s2;
	s6 =	simm.s32 $0x108;
	_ =	swait.ge @!p0 [sflag:s8], $0x0  }
0x24: {  	s3 =	sadd.s32 $0x88, s3;
	s6 =	simm.s32 @!p1 $0x1082;
	[sflag:s4] =	ssyncset.s32 $0xFFFFF086  }
0x25: {  	[simem:s6], [sflag:s4] =	dma.local [hbm:s3], $0xF7A  }
0x26: {  	[smem:$0x3F9B] =	sst s1;
	(tag) =	ssettag s2;
	_ =	strace s9  }
0x27: {  	s1 =	sld [smem:$0x3FAB]  }
0x28: {  	s2 =	sld [smem:$0x3FAC]  }
0x29: {  	s4 =	sld [smem:$0x3FAE]  }
0x2a: {  	p0 =	seq.s32 s5, $0x0;
	s5 =	sld [smem:$0x3FAF]  }
0x2b: {  	s6 =	sld [smem:$0x3FB0]  }
0x2c: {  	s7 =	sld [smem:$0x3FB1]  }
0x2d: {  	s3 =	simm.s32 $0x108;
	s8 =	sld [smem:$0x3FB2]  }
0x2e: {  	s3 =	simm.s32 @!p0 $0x1082;
	s9 =	sld [smem:$0x3FB3]  }
0x2f: {  	lr =	sadd.s32 s0, s3;
	s0 =	sld [smem:$0x3FAA]  }
0x30: {  	s3 =	sld [smem:$0x3FAD]  }
0x31: {  	[smem:$0x3FB6] =	sst s10  }
0x32: {  	s10 =	sld [smem:$0x3FB4];
	_ =	sdelay $0x3  }
0x33: {  	p0 =	seq.s32 s10, $0x1;
	s10 =	sld [smem:$0x3FB6];
	_ =	sdelay $0x3  }
0x34: {  	[smem:$0x3FB6] =	sst s10  }
0x35: {  	s10 =	sld [smem:$0x3FB5];
	_ =	sdelay $0x3  }
0x36: {  	p1 =	seq.s32 s10, $0x1;
	s10 =	sld [smem:$0x3FB6];
	_ =	sdelay $0x3  }
0x37: {  	[smem:$0x3FB6] =	sst s10  }
0x38: {  	s10 =	sld [smem:$0x3FB7]  }
0x39: {  	_ = 	snop;
	(pc) =	sbr.ind lr, $3  }
0x3a: {  	_ = 	snop  }
0x3b: {  	_ = 	snop  }
0x3c: {  	p2 =	seq.s32 s10, $0x1;
	s10 =	sld [smem:$0x3FB6]  }
0x3d: {  	_ =	shalt  }
0x3e: {  	_ =	shalt  }
0x3f: {  	_ =	shalt  }
0x40: {  	_ =	shalt  }
0x41: {  	_ =	shalt  }
0x42: {  	_ =	shalt  }
0x43: {  	_ =	shalt  }
0x44: {  	_ =	shalt  }
0x45: {  	_ =	shalt  }
0x46: {  	_ =	shalt  }
0x47: {  	_ =	shalt  }
0x48: {  	_ =	shalt  }
0x49: {  	_ =	shalt  }
0x4a: {  	_ =	shalt  }
0x4b: {  	_ =	shalt  }
0x4c: {  	_ =	shalt  }
0x4d: {  	_ =	shalt  }
0x4e: {  	_ =	shalt  }
0x4f: {  	_ =	shalt  }
0x50: {  	_ =	shalt  }
0x51: {  	_ =	shalt  }
0x52: {  	_ =	shalt  }
0x53: {  	_ =	shalt  }
0x54: {  	_ =	shalt  }
0x55: {  	_ =	shalt  }
0x56: {  	_ =	shalt  }
0x57: {  	_ =	shalt  }
0x58: {  	_ =	shalt  }
0x59: {  	_ =	shalt  }
0x5a: {  	_ =	shalt  }
0x5b: {  	_ =	shalt  }
0x5c: {  	_ =	shalt  }
0x5d: {  	_ =	shalt  }
0x5e: {  	_ =	shalt  }
0x5f: {  	_ =	shalt  }
0x60: {  	_ =	shalt  }
0x61: {  	_ =	shalt  }
0x62: {  	_ =	shalt  }
0x63: {  	_ =	shalt  }
0x64: {  	_ =	shalt  }
0x65: {  	_ =	shalt  }
0x66: {  	_ =	shalt  }
0x67: {  	_ =	shalt  }
0x68: {  	_ =	shalt  }
0x69: {  	_ =	shalt  }
0x6a: {  	_ =	shalt  }
0x6b: {  	_ =	shalt  }
0x6c: {  	_ =	shalt  }
0x6d: {  	_ =	shalt  }
0x6e: {  	_ =	shalt  }
0x6f: {  	_ =	shalt  }
0x70: {  	_ =	shalt  }
0x71: {  	_ =	shalt  }
0x72: {  	_ =	shalt  }
0x73: {  	_ =	shalt  }
0x74: {  	_ =	shalt  }
0x75: {  	_ =	shalt  }
0x76: {  	_ =	shalt  }
0x77: {  	_ =	shalt  }
0x78: {  	_ =	shalt  }
0x79: {  	_ =	shalt  }
0x7a: {  	_ =	shalt  }
0x7b: {  	_ =	shalt  }
0x7c: {  	_ =	shalt  }
0x7d: {  	_ =	shalt  }
0x7e: {  	_ =	shalt  }
0x7f: {  	_ =	shalt  }
0x80: {  	_ =	shalt  }
0x81: {  	_ =	shalt  }
0x82: {  	_ =	shalt  }
0x83: {  	_ =	shalt  }
0x84: {  	_ =	shalt  }
0x85: {  	_ =	shalt  }
0x86: {  	_ =	shalt  }
0x87: {  	_ =	shalt  }
.Lfunc_end0:
.L_simem_size_0:
called_computation.2_lowered:
.L_overlay_start_0:
0x88: {  	s2 =	sld [smem:$0x3FD9]  }
0x89: {  	s3 =	sld [smem:$0x3FFE];
	_ =	sdelay $0x1  }
0x8a: {  	s1 =	srdreg.scid  }
0x8b: {  	s0 =	sand.u32 $0x1, s1  }
0x8c: {  	s17 =	sshll.u32 s0, $0xA;
	s2 =	sadd.s32 s3, s2  }
0x8d: {  	s2 =	sadd.s32 s2, s17  }
0x8e: {  	[smem:$0x3FC2] =	sst s2  }
0x8f: {  	_ = 	snop  }
0x90: {  	s2 =	sld [smem:$0x3FD0];
	(tm) =	ssettm $0x1  }
0x91: {  	s18 =	sld [smem:$0x3FFB];
	_ =	sdelay $0x3  }
0x92: {  	_ =	strace s18  }
0x93: {  	s3 =	sld [smem:$0x3FFC];
	_ =	sdelay $0x3  }
0x94: {  	_ =	strace s3  }
0x95: {  	s3 =	sld [smem:$0x3FFD];
	_ =	sdelay $0x3  }
0x96: {  	_ =	strace s3  }
0x97: {  	_ =	strace $0x8FFFFFFF  }
0x98: {  	s19 =	sld [smem:$0x3FDB];
	_ =	sdelay $0x1  }
0x99: {  	s4 =	simm.s32 $_scs_section_size  }
0x9a: {  	s5 =	simm.s32 $_size__tile_overlayer_lowered;
	s6 =	simm.s32 $_tile_overlayer_lowered  }
0x9b: {  	s22 =	simm.s32 $0x1BFF;
	s21 =	sshll.u32 s6, $0x1;
	s3 =	sadd.s32 s4, s19  }
0x9c: {  	s7 =	simm.s32 $0x0;
	s20 =	sshll.u32 s5, $0x1;
	s5 =	sadd.s32 s21, s3  }
0x9d: {  	[timem:s7], [sflag:s22] =	dma.local [hbm:s5], s20  }
0x9e: {  	_ =	swait.ge [sflag:s22], s20  }
0x9f: {  	s4 =	ssub.s32 $0x0, s20;
	[sflag:s22] =	ssyncset.done $0x0  }
0xa0: {  	[sflag:s22] =	ssyncadd.s32 s4;
	_ =	sdelay $0x1  }
0xa1: {  	s23 =	simm.s32 $0x1B8B  }
0xa2: {  	_ =	swait.ge [sflag:s23], $0x1  }
0xa3: {  	[sflag:s23] =	ssyncset.done $0x0  }
0xa4: {  	s25 =	simm.s32 $0x1B8E;
	s24 =	sld [smem:$0x3FFE];
	[sflag:s23] =	ssyncadd.s32 $0xFFFFFFFF  }
0xa5: {  	s26 =	simm.s32 $execute0_lowered;
	[smem:$0x3FD2] =	sst s25  }
0xa6: {  	s5 =	sshll.u32 s26, $0x1;
	_ =	strace $0x8000004C;
	[dreg:$0x1] =	wrdreg $0xFFFFFFFF  }
0xa7: {  	s28 =	simm.s32 $_size_execute0_lowered;
	s3 =	sadd.s32 s3, s5;
	[dreg:$0x0] =	wrdreg $0x0  }
0xa8: {  	s5 =	sshll.u32 s28, $0x1;
	[dreg:$0x2] =	wrdreg s3  }
0xa9: {  	[dreg:$0x3] =	wrdreg s5  }
0xaa: {  	[dreg:$0x4] =	wrdreg $0xC0  }
0xab: {  	_ =	task [dreg:s7], $0x5FFFF  }
0xac: {  	[dreg:$0x1] =	wrdreg $0xFFFFFFFF  }
0xad: {  	[dreg:$0x0] =	wrdreg $0x60  }
0xae: {  	[dreg:$0x2] =	wrdreg s2  }
0xaf: {  	[dreg:$0x3] =	wrdreg s24  }
0xb0: {  	[dreg:$0x4] =	wrdreg $0x8F000  }
0xb1: {  	[dreg:$0x5] =	wrdreg $0x12F000  }
0xb2: {  	[dreg:$0x6] =	wrdreg $0x9  }
0xb3: {  	_ =	task.clear_ibuf [dreg:s7], $0x7FFFF;
	_ =	strace $0x9000004C  }
0xb4: {  	s29 =	simm.s32 $0x9;
	_ =	strace $0x8000004E  }
0xb5: {  	_ =	swait.ge [sflag:s29], $0x1  }
0xb6: {  	[sflag:s29] =	ssyncadd.s32 $0xFFFFFFFF  }
0xb7: {  	_ =	strace $0x9000004E  }
0xb8: {  	_ =	sfence  }
0xb9: {  	s30 =	sld [smem:$0x0];
	_ =	sdelay $0x2  }
0xba: {  	s31 =	sshll.u32 s1, $0xD;
	s1 =	sshrl.u32 s1, $0x2  }
0xbb: {  	s3 =	sand.u32 $0x4000, s31;
	s1 =	sadd.s32 s1, s30  }
0xbc: {  	s0 =	sor.u32 s3, s0;
	s1 =	sshll.u32 s1, $0x11  }
0xbd: {  	s0 =	sor.u32 s1, s0  }
0xbe: {  	s0 =	sadd.s32 $0x8F2B, s0  }
0xbf: {  	[sflag:s0] =	ssyncadd.remote.s32 $0x1  }
0xc0: {  	_ =	sfence.sel $0xFFFF  }
0xc1: {  	[dreg:$0x0] =	wrdreg $0xFFFFFFFF;
	(pc) =	sbr.abs _section_cstart, $3  }
0xc2: {  	[dreg:$0x1] =	wrdreg $0xFFFFFFFF  }
0xc3: {  	_ =	task.clear_ibuf [dreg:s7], $0x2FFFF;
	_ =	strace $0x9FFFFFFF  }
0xc4: {  	(tm) =	ssettm $0x7FFFFFFF  }
0xc5: {  	_ =	shalt  }
tec
execute0_lowered:
.L_overlay_start_1:
0x0: {  	(tag) =	ssettag $0x1  }
0x1: {  	s0 =	rddreg [dreg:$0x0]  }
0x2: {  	s5 =	rddreg [dreg:$0x1]  }
0x3: {  	s2 =	rddreg [dreg:$0x2]  }
0x4: {  	s3 =	rddreg [dreg:$0x3]  }
0x5: {  	s4 =	srdreg.scid;
	s1 =	stileid.u32;
	s17 =	simm.s32 $0x2780  }
0x6: {  	s18 =	simm.s32 $0x80;
	s19 =	simm.s32 $0x4F00;
	s20 =	simm.s32 $0x6F00  }
0x7: {  	s21 =	simm.s32 $0x1;
	s22 =	simm.s32 $0x2;
	s23 =	simm.s32 $0x3  }
0x8: {  	s28 =	simm.s32 $0x2700;
	s29 =	simm.s32 $0x4E80;
	s30 =	simm.s32 $0x0  }
0x9: {  	s6 =	sand.u32 $0x1, s4;
	s4 =	simm.s32 $0x0;
	s7 =	smul.u32 $0xA000, s1  }
0xa: {  	s26 =	sshll.u32 s1, $0x6;
	s8 =	sshll.u32 s6, $0x4;
	[smem:$0x7FF] =	sst s4  }
0xb: {  	s9 =	smul.u32 $0xA0000, s6;
	s6 =	ssub.s32 $0x2, s6;
	s8 =	sor.u32 s1, s8  }
0xc: {  	_ =	strace $0x8000004D;
	s10 =	sshrl.u32 s7, $0x3;
	s25 =	sshrl.u32 s6, $0x1  }
0xd: {  	s15 =	sadd.s32 s7, s2;
	s31 =	sadd.s32 s7, s3;
	s8 =	smul.u32 $0x4F0, s8  }
0xe: {  	s11 =	sadd.s32 s10, s5;
	s9 =	sadd.s32 s7, s9;
	s14 =	ssub.s32 s6, s25  }
0xf: {  	s6 =	sor.u32 $0x1C05, s26;
	s16 =	sshrl.u32 s31, $0x3;
	s25 =	simm.s32 $0x4D80  }
0x10: {  	s26 =	simm.s32 $0x4E00;
	s24 =	sshrl.u32 s9, $0x3;
	s7 =	sadd.s32 $0x92E00, s11  }
0x11: {  	s11 =	sadd.s32 $0x6AE00, s11;
	s12 =	sadd.s32 s8, s5;
	s13 =	sadd.s32 s24, s5  }
0x12: {  	s5 =	sadd.s32 s0, s10;
	s24 =	simm.s32 $0x4;
	s8 =	sadd.s32 $0x11000, s12  }
0x13: {  	s9 =	sadd.s32 $0x2200, s12;
	s10 =	sadd.s32 $0xCEE00, s13;
	s12 =	sadd.s32 $0xA6E00, s13  }
0x14: {  	s13 =	smax.u32 s14, $0x1;
	s14 =	sshrl.u32 s15, $0x3;
	s15 =	simm.s32 $0x5  }
.LBB2_1:
0x15: {  	[spmem:s14], [sflag:s6] =	dma.local [hbm:s5], $0x1400  }
0x16: {  	_ =	swait.ge [sflag:s15], $0x1400  }
0x17: {  	[sflag:s15] =	ssyncset.done $0x0  }
0x18: {  	[sflag:s15] =	ssyncadd.s32 $0xFFFFEC00  }
0x19: {  	[spmem:s16], [sflag:s6] =	dma.local [hbm:s7], $0x1400  }
0x1a: {  	_ =	swait.ge [sflag:s15], $0x1400  }
0x1b: {  	[sflag:s15] =	ssyncset.done $0x0  }
0x1c: {  	[sflag:s15] =	ssyncadd.s32 $0xFFFFEC00  }
0x1d: {  	[tilespmem:s4], [sflag:$0x5] =	stream.linear.gather [hbm4b:s8+s4], $0x2780, $0x38;
	[tilespmem:$0x1CF00] =	vst v63  }
0x1e: {  	_ =	swait.ge [sflag:s15], $0x2780  }
0x1f: {  	[sflag:s15] =	ssyncset.done $0x0  }
0x20: {  	[sflag:s15] =	ssyncadd.s32 $0xFFFFD880  }
0x21: {  	[tilespmem:s17], [sflag:$0x5] =	stream.linear.gather [hbm4b:s9+s4], $0x2780, $0x38;
	[tilespmem:$0x1CF00] =	vst v63  }
0x22: {  	_ =	swait.ge [sflag:s15], $0x2780  }
0x23: {  	[sflag:s15] =	ssyncset.done $0x0  }
0x24: {  	[sflag:s15] =	ssyncadd.s32 $0xFFFFD880  }
0x25: {  	[bflag:$0x0] =	sbarrier.arrive $0xFFFF  }
0x26: {  	[tilespmem:s19], [sflag:$0x1] =	stream.indirect.gather [spmem:s2], $0x40, s4, s18, $0xb8;
	[tilespmem:$0x1CF00] =	vst v63  }
0x27: {  	_ = 	snop  }
0x28: {  	[tilespmem:s20], [sflag:$0x2] =	stream.indirect.gather [spmem:s2], $0x40, s18, s18, $0xb8;
	[tilespmem:$0x1CF00] =	vst v63  }
0x29: {  	_ =	swait.ge [sflag:s21], $0x2000  }
0x2a: {  	[sflag:s21] =	ssyncset.done $0x0  }
0x2b: {  	s0 =	simm.s32 $0x2780;
	[sflag:s21] =	ssyncadd.s32 $0xFFFFE000  }
0x2c: {  	[spmem:s3] =	stream.indirect.scatter.add.f32 [tilespmem:s19], [sflag:$0x3], $0x40, s0, s18, $0xb8;
	[tilespmem:$0x1CF00] =	vst v63  }
0x2d: {  	_ =	swait.ge [sflag:s22], $0x2000  }
0x2e: {  	[sflag:s22] =	ssyncset.done $0x0  }
0x2f: {  	s1 =	simm.s32 $0x2800;
	[sflag:s22] =	ssyncadd.s32 $0xFFFFE000  }
0x30: {  	[spmem:s3] =	stream.indirect.scatter.add.f32 [tilespmem:s20], [sflag:$0x4], $0x40, s1, s18, $0xb8;
	[tilespmem:$0x1CF00] =	vst v63  }
0x31: {  	_ =	swait.ge [sflag:s23], $0x2000  }
0x32: {  	[sflag:s23] =	ssyncset.done $0x0  }
0x33: {  	s1 =	simm.s32 $0x100;
	[sflag:s23] =	ssyncadd.s32 $0xFFFFE000  }
0x34: {  	[tilespmem:s19], [sflag:$0x1] =	stream.indirect.gather [spmem:s2], $0x40, s1, s18, $0xb8;
	[tilespmem:$0x1CF00] =	vst v63  }
0x35: {  	_ =	swait.ge [sflag:s24], $0x2000  }
0x36: {  	[sflag:s24] =	ssyncset.done $0x0  }
0x37: {  	s31 =	simm.s32 $0x400;
	s0 =	simm.s32 $0x180;
	[sflag:s24] =	ssyncadd.s32 $0xFFFFE000  }
.LBB2_2:
0x38: {  	[tilespmem:s20], [sflag:$0x2] =	stream.indirect.gather [spmem:s2], $0x40, s0, s18, $0xb8;
	[tilespmem:$0x1CF00] =	vst v63  }
0x39: {  	s0 =	smov.u32 s31  }
0x3a: {  	p0 =	sne.s32 s31, $0x9400;
	s31 =	sadd.s32 $0x400, s31;
	_ =	swait.ge [sflag:s21], $0x2000  }
0x3b: {  	s0 =	sshra.s32 s0, $0x2;
	[sflag:s21] =	ssyncset.done $0x0  }
0x3c: {  	s1 =	sadd.s32 $0x2780, s0;
	[sflag:s21] =	ssyncadd.s32 $0xFFFFE000  }
0x3d: {  	[spmem:s3] =	stream.indirect.scatter.add.f32 [tilespmem:s19], [sflag:$0x3], $0x40, s1, s18, $0xb8;
	[tilespmem:$0x1CF00] =	vst v63  }
0x3e: {  	_ =	swait.ge [sflag:s22], $0x2000  }
0x3f: {  	[sflag:s22] =	ssyncset.done $0x0  }
0x40: {  	s1 =	sadd.s32 $0x2800, s0;
	[sflag:s22] =	ssyncadd.s32 $0xFFFFE000  }
0x41: {  	[spmem:s3] =	stream.indirect.scatter.add.f32 [tilespmem:s20], [sflag:$0x4], $0x40, s1, s18, $0xb8;
	[tilespmem:$0x1CF00] =	vst v63  }
0x42: {  	_ =	swait.ge [sflag:s23], $0x2000  }
0x43: {  	[sflag:s23] =	ssyncset.done $0x0  }
.Ltmp0:
0x44: {  	s1 =	sadd.s32 $0x100, s0;
	[sflag:s23] =	ssyncadd.s32 $0xFFFFE000;
	(pc) =	sbr.rel @p0 .LBB2_2-.Ltmp0, $4  }
0x45: {  	[tilespmem:s19], [sflag:$0x1] =	stream.indirect.gather [spmem:s2], $0x40, s1, s18, $0xb8;
	[tilespmem:$0x1CF00] =	vst v63  }
0x46: {  	_ =	swait.ge [sflag:s24], $0x2000  }
0x47: {  	[sflag:s24] =	ssyncset.done $0x0  }
0x48: {  	s0 =	sadd.s32 $0x180, s0;
	[sflag:s24] =	ssyncadd.s32 $0xFFFFE000  }
0x49: {  	[tilespmem:s20], [sflag:$0x2] =	stream.indirect.gather [spmem:s2], $0x40, s0, s18, $0xb8;
	[tilespmem:$0x1CF00] =	vst v63  }
0x4a: {  	_ =	swait.ge [sflag:s21], $0x2000  }
0x4b: {  	[sflag:s21] =	ssyncset.done $0x0  }
0x4c: {  	[sflag:s21] =	ssyncadd.s32 $0xFFFFE000  }
0x4d: {  	[spmem:s3] =	stream.indirect.scatter.add.f32 [tilespmem:s19], [sflag:$0x3], $0x40, s25, s18, $0xb8;
	[tilespmem:$0x1CF00] =	vst v63  }
0x4e: {  	_ =	swait.ge [sflag:s22], $0x2000  }
0x4f: {  	[sflag:s22] =	ssyncset.done $0x0  }
0x50: {  	[sflag:s22] =	ssyncadd.s32 $0xFFFFE000  }
0x51: {  	[spmem:s3] =	stream.indirect.scatter.add.f32 [tilespmem:s20], [sflag:$0x4], $0x40, s26, s18, $0xb8;
	[tilespmem:$0x1CF00] =	vst v63  }
0x52: {  	_ =	swait.ge [sflag:s23], $0x2000  }
0x53: {  	[sflag:s23] =	ssyncset.done $0x0  }
0x54: {  	[sflag:s23] =	ssyncadd.s32 $0xFFFFE000  }
0x55: {  	[tilespmem:s19], [sflag:$0x1] =	stream.indirect.gather [spmem:s2], $0x40, s28, s18, $0xb8;
	[tilespmem:$0x1CF00] =	vst v63  }
0x56: {  	_ =	swait.ge [sflag:s21], $0x2000  }
0x57: {  	[sflag:s21] =	ssyncset.done $0x0  }
0x58: {  	[sflag:s21] =	ssyncadd.s32 $0xFFFFE000  }
0x59: {  	[spmem:s3] =	stream.indirect.scatter.add.f32 [tilespmem:s19], [sflag:$0x3], $0x40, s29, s18, $0xb8;
	[tilespmem:$0x1CF00] =	vst v63  }
0x5a: {  	_ =	swait.ge [sflag:s23], $0x2000  }
0x5b: {  	[sflag:s23] =	ssyncset.done $0x0  }
0x5c: {  	[sflag:s23] =	ssyncadd.s32 $0xFFFFE000  }
0x5d: {  	_ =	swait.ge [sflag:s24], $0x2000  }
0x5e: {  	[sflag:s24] =	ssyncset.done $0x0  }
0x5f: {  	[sflag:s24] =	ssyncadd.s32 $0xFFFFE000  }
0x60: {  	[bflag:$0x0] =	sbarrier.arrive $0xFFFF  }
0x61: {  	[hbm:s10], [sflag:s6] =	dma.local [spmem:s16], $0x1400  }
0x62: {  	_ =	swait.ge [sflag:s15], $0x1400  }
0x63: {  	[sflag:s15] =	ssyncset.done $0x0  }
0x64: {  	[sflag:s15] =	ssyncadd.s32 $0xFFFFEC00  }
0x65: {  	[spmem:s14], [sflag:s6] =	dma.local [hbm:s11], $0x1400  }
0x66: {  	_ =	swait.ge [sflag:s15], $0x1400  }
0x67: {  	[sflag:s15] =	ssyncset.done $0x0  }
0x68: {  	[sflag:s15] =	ssyncadd.s32 $0xFFFFEC00  }
0x69: {  	[spmem:s16], [sflag:s6] =	dma.local [hbm:s7], $0x1400  }
0x6a: {  	_ =	swait.ge [sflag:s15], $0x1400  }
0x6b: {  	[sflag:s15] =	ssyncset.done $0x0  }
0x6c: {  	[sflag:s15] =	ssyncadd.s32 $0xFFFFEC00  }
0x6d: {  	s1 =	simm.s32 $0x0;
	[bflag:$0x0] =	sbarrier.arrive $0xFFFF  }
0x6e: {  	[tilespmem:s19], [sflag:$0x1] =	stream.indirect.gather [spmem:s2], $0x40, s1, s18, $0xb8;
	[tilespmem:$0x1CF00] =	vst v63  }
0x6f: {  	_ = 	snop  }
0x70: {  	[tilespmem:s20], [sflag:$0x2] =	stream.indirect.gather [spmem:s2], $0x40, s18, s18, $0xb8;
	[tilespmem:$0x1CF00] =	vst v63  }
0x71: {  	_ =	swait.ge [sflag:s21], $0x2000  }
0x72: {  	[sflag:s21] =	ssyncset.done $0x0  }
0x73: {  	s1 =	simm.s32 $0x2780;
	[sflag:s21] =	ssyncadd.s32 $0xFFFFE000  }
0x74: {  	[spmem:s3] =	stream.indirect.scatter.add.f32 [tilespmem:s19], [sflag:$0x3], $0x40, s1, s18, $0xb8;
	[tilespmem:$0x1CF00] =	vst v63  }
0x75: {  	_ =	swait.ge [sflag:s22], $0x2000  }
0x76: {  	[sflag:s22] =	ssyncset.done $0x0  }
0x77: {  	s1 =	simm.s32 $0x2800;
	[sflag:s22] =	ssyncadd.s32 $0xFFFFE000  }
0x78: {  	[spmem:s3] =	stream.indirect.scatter.add.f32 [tilespmem:s20], [sflag:$0x4], $0x40, s1, s18, $0xb8;
	[tilespmem:$0x1CF00] =	vst v63  }
0x79: {  	_ =	swait.ge [sflag:s23], $0x2000  }
0x7a: {  	[sflag:s23] =	ssyncset.done $0x0  }
0x7b: {  	s1 =	simm.s32 $0x100;
	[sflag:s23] =	ssyncadd.s32 $0xFFFFE000  }
0x7c: {  	[tilespmem:s19], [sflag:$0x1] =	stream.indirect.gather [spmem:s2], $0x40, s1, s18, $0xb8;
	[tilespmem:$0x1CF00] =	vst v63  }
0x7d: {  	_ =	swait.ge [sflag:s24], $0x2000  }
0x7e: {  	[sflag:s24] =	ssyncset.done $0x0  }
0x7f: {  	s31 =	simm.s32 $0x400;
	s0 =	simm.s32 $0x180;
	[sflag:s24] =	ssyncadd.s32 $0xFFFFE000  }
.LBB2_4:
0x80: {  	[tilespmem:s20], [sflag:$0x2] =	stream.indirect.gather [spmem:s2], $0x40, s0, s18, $0xb8;
	[tilespmem:$0x1CF00] =	vst v63  }
0x81: {  	s0 =	smov.u32 s31  }
0x82: {  	p0 =	sne.s32 s31, $0x9400;
	s31 =	sadd.s32 $0x400, s31;
	_ =	swait.ge [sflag:s21], $0x2000  }
0x83: {  	s0 =	sshra.s32 s0, $0x2;
	[sflag:s21] =	ssyncset.done $0x0  }
0x84: {  	s1 =	sadd.s32 $0x2780, s0;
	[sflag:s21] =	ssyncadd.s32 $0xFFFFE000  }
0x85: {  	[spmem:s3] =	stream.indirect.scatter.add.f32 [tilespmem:s19], [sflag:$0x3], $0x40, s1, s18, $0xb8;
	[tilespmem:$0x1CF00] =	vst v63  }
0x86: {  	_ =	swait.ge [sflag:s22], $0x2000  }
0x87: {  	[sflag:s22] =	ssyncset.done $0x0  }
0x88: {  	s1 =	sadd.s32 $0x2800, s0;
	[sflag:s22] =	ssyncadd.s32 $0xFFFFE000  }
0x89: {  	[spmem:s3] =	stream.indirect.scatter.add.f32 [tilespmem:s20], [sflag:$0x4], $0x40, s1, s18, $0xb8;
	[tilespmem:$0x1CF00] =	vst v63  }
0x8a: {  	_ =	swait.ge [sflag:s23], $0x2000  }
0x8b: {  	[sflag:s23] =	ssyncset.done $0x0  }
.Ltmp1:
0x8c: {  	s1 =	sadd.s32 $0x100, s0;
	[sflag:s23] =	ssyncadd.s32 $0xFFFFE000;
	(pc) =	sbr.rel @p0 .LBB2_4-.Ltmp1, $4  }
0x8d: {  	[tilespmem:s19], [sflag:$0x1] =	stream.indirect.gather [spmem:s2], $0x40, s1, s18, $0xb8;
	[tilespmem:$0x1CF00] =	vst v63  }
0x8e: {  	_ =	swait.ge [sflag:s24], $0x2000  }
0x8f: {  	[sflag:s24] =	ssyncset.done $0x0  }
0x90: {  	s0 =	sadd.s32 $0x180, s0;
	[sflag:s24] =	ssyncadd.s32 $0xFFFFE000  }
0x91: {  	[tilespmem:s20], [sflag:$0x2] =	stream.indirect.gather [spmem:s2], $0x40, s0, s18, $0xb8;
	[tilespmem:$0x1CF00] =	vst v63  }
0x92: {  	_ =	swait.ge [sflag:s21], $0x2000  }
0x93: {  	[sflag:s21] =	ssyncset.done $0x0  }
0x94: {  	[sflag:s21] =	ssyncadd.s32 $0xFFFFE000  }
0x95: {  	[spmem:s3] =	stream.indirect.scatter.add.f32 [tilespmem:s19], [sflag:$0x3], $0x40, s25, s18, $0xb8;
	[tilespmem:$0x1CF00] =	vst v63  }
0x96: {  	_ =	swait.ge [sflag:s22], $0x2000  }
0x97: {  	[sflag:s22] =	ssyncset.done $0x0  }
0x98: {  	[sflag:s22] =	ssyncadd.s32 $0xFFFFE000  }
0x99: {  	[spmem:s3] =	stream.indirect.scatter.add.f32 [tilespmem:s20], [sflag:$0x4], $0x40, s26, s18, $0xb8;
	[tilespmem:$0x1CF00] =	vst v63  }
0x9a: {  	_ =	swait.ge [sflag:s23], $0x2000  }
0x9b: {  	[sflag:s23] =	ssyncset.done $0x0  }
0x9c: {  	[sflag:s23] =	ssyncadd.s32 $0xFFFFE000  }
0x9d: {  	[tilespmem:s19], [sflag:$0x1] =	stream.indirect.gather [spmem:s2], $0x40, s28, s18, $0xb8;
	[tilespmem:$0x1CF00] =	vst v63  }
0x9e: {  	_ =	swait.ge [sflag:s21], $0x2000  }
0x9f: {  	[sflag:s21] =	ssyncset.done $0x0  }
0xa0: {  	[sflag:s21] =	ssyncadd.s32 $0xFFFFE000  }
0xa1: {  	[spmem:s3] =	stream.indirect.scatter.add.f32 [tilespmem:s19], [sflag:$0x3], $0x40, s29, s18, $0xb8;
	[tilespmem:$0x1CF00] =	vst v63  }
0xa2: {  	_ =	swait.ge [sflag:s23], $0x2000  }
0xa3: {  	[sflag:s23] =	ssyncset.done $0x0  }
0xa4: {  	[sflag:s23] =	ssyncadd.s32 $0xFFFFE000  }
0xa5: {  	_ =	swait.ge [sflag:s24], $0x2000  }
0xa6: {  	s30 =	sadd.s32 $0x1, s30;
	[sflag:s24] =	ssyncset.done $0x0  }
0xa7: {  	p0 =	sne.s32 s30, s13;
	[sflag:s24] =	ssyncadd.s32 $0xFFFFE000  }
.Ltmp2:
0xa8: {  	[bflag:$0x0] =	sbarrier.arrive $0xFFFF;
	(pc) =	sbr.rel @p0 .LBB2_1-.Ltmp2, $4  }
0xa9: {  	[hbm:s12], [sflag:s6] =	dma.local [spmem:s16], $0x1400  }
0xaa: {  	_ =	swait.ge [sflag:s15], $0x1400  }
0xab: {  	[sflag:s15] =	ssyncset.done $0x0  }
0xac: {  	[sflag:s15] =	ssyncadd.s32 $0xFFFFEC00  }
0xad: {  	_ =	sfence.sel $0x180000  }
0xae: {  	[bflag:$0x0] =	sbarrier.arrive $0xFFFF  }
0xaf: {  	_ =	strace $0x9000004D  }
0xb0: {  	s0 =	stileid.u32;
	[bflag:$0x2] =	sbarrier.arrive $0xFFFF  }
0xb1: {  	p0 =	sne.s32 s0, $0x0;
	s0 =	rddreg [dreg:$0x4]  }
0xb2: {  	s0 =	sadd.s32 @!p0 $0x100000, s0  }
0xb3: {  	[sflag:s0] =	ssyncadd.tile.s32 @!p0 $0x1;
	_ =	shalt  }
.Lfunc_end2:
_tile_overlayer_lowered:
.L_overlay_start_2:
0xb4: {  	(tag) =	ssettag $0x2  }
0xb5: {  	s0 =	rddreg [dreg:$0x0];
	s2 =	stileid.u32  }
0xb6: {  	s1 =	rddreg [dreg:$0x1];
	p0 =	sne.s32 s2, $0x0  }
0xb7: {  	s3 =	rddreg [dreg:$0x2];
	[bflag:$0x3] =	sbarrier.arrive $0xFFFF;
	s2 =	simm.s32 @!p0 $0x1C05  }
0xb8: {  	[timem:s3], [sflag:s2] =	dma.local @!p0 [hbm:s0], s1  }
0xb9: {  	s0 =	simm.s32 @!p0 $0x5  }
0xba: {  	_ =	swait.ge @!p0 [sflag:s0], s1  }
0xbb: {  	s1 =	ssub.s32 @!p0 $0x0, s1;
	[sflag:s0] =	ssyncset.done @!p0 $0x0  }
0xbc: {  	[sflag:s0] =	ssyncadd.s32 @!p0 s1  }
0xbd: {  	[bflag:$0x3] =	sbarrier.arrive $0xFFFF  }
0xbe: {  	_ =	shalt  }

// kernel: kernel.9.cloned.1.call-start
scs
__scs_entry_jumppad:
0x0: {  	(pc) =	sbr.rel $0x88, $3  }
0x1: {  	(tag) =	ssettag $0x0;
	lr =	simm.s32 $0x1  }
0x2: {  	[smem:$0x3F9B] =	sst lr;
	_ =	strace $0xD0000000  }
0x3: {  	_ = 	snop  }
0x4: {  	_ = 	snop  }
0x5: {  	_ = 	snop  }
0x6: {  	_ = 	snop  }
0x7: {  	_ = 	snop  }
__scs_overlays_trampoline_lowered:
0x8: {  	[smem:$0x3FAA] =	sst s0  }
0x9: {  	[smem:$0x3FAB] =	sst s1  }
0xa: {  	[smem:$0x3FAC] =	sst s2  }
0xb: {  	[smem:$0x3FAD] =	sst s3  }
0xc: {  	[smem:$0x3FAE] =	sst s4  }
0xd: {  	[smem:$0x3FAF] =	sst s5  }
0xe: {  	[smem:$0x3FB0] =	sst s6  }
0xf: {  	[smem:$0x3FB1] =	sst s7  }
0x10: {  	[smem:$0x3FB2] =	sst s8  }
0x11: {  	[smem:$0x3FB3] =	sst s9;
	s0 =	simm.s32 @!p0 $0x0  }
0x12: {  	s1 =	sld [smem:$0x3F99];
	s0 =	simm.s32 @p0 $0x1  }
0x13: {  	[smem:$0x3FB4] =	sst s0;
	s0 =	simm.s32 @!p1 $0x0  }
0x14: {  	s2 =	sld [smem:$0x3F98];
	s0 =	simm.s32 @p1 $0x1  }
0x15: {  	[smem:$0x3FB5] =	sst s0;
	s0 =	simm.s32 @!p2 $0x0  }
0x16: {  	s3 =	sld [smem:$0x3FDB];
	s0 =	simm.s32 @p2 $0x1  }
0x17: {  	s4 =	simm.s32 $0x1BF5;
	[smem:$0x3FB7] =	sst s0  }
0x18: {  	s0 =	sld [smem:$0x3F9A];
	_ =	swait.ge [sflag:s4], $0x0  }
0x19: {  	s7 =	sld [smem:$0x3F9B]  }
0x1a: {  	s8 =	sadd.s32 $0xFFFFE003, lr  }
0x1b: {  	s9 =	sadd.s32 $0xFFFFFEF7, lr;
	s5 =	simm.s32 $0xFFFFFFFF;
	p2 =	slt.u32 s8, $0xFFFFF086  }
0x1c: {  	p1 =	slt.u32 s9, $0xF7A;
	s5 =	simm.s32 @!p2 $0x0  }
0x1d: {  	s5 =	simm.s32 @p1 $0x1;
	p0 =	seq.s32 s7, s2  }
0x1e: {  	s7 =	smul.u32 @!p0 $0xF7A, s2;
	p2 =	seq.s32 @!p0 s5, $0x0  }
0x1f: {  	s9 =	smul.u32 $0xF7A, s1;
	s8 =	simm.s32 @!p0 $0x1BF5;
	p2 =	por !p2, p0  }
0x20: {  	[sflag:s8] =	ssyncset.s32 @!p0 $0xFFFFF086;
	s6 =	sadd.s32 @!p0 s3, s7;
	s7 =	simm.s32 @!p0 $0x108  }
0x21: {  	s3 =	sadd.s32 s3, s9;
	s6 =	sadd.s32 @!p0 $0x88, s6;
	s7 =	simm.s32 @p2 $0x1082  }
0x22: {  	[simem:s7], [sflag:s8] =	dma.local @!p0 [hbm:s6], $0xF7A  }
0x23: {  	s9 =	sor.u32 $0xD0000000, s2;
	s6 =	simm.s32 $0x108;
	_ =	swait.ge @!p0 [sflag:s8], $0x0  }
0x24: {  	s3 =	sadd.s32 $0x88, s3;
	s6 =	simm.s32 @!p1 $0x1082;
	[sflag:s4] =	ssyncset.s32 $0xFFFFF086  }
0x25: {  	[simem:s6], [sflag:s4] =	dma.local [hbm:s3], $0xF7A  }
0x26: {  	[smem:$0x3F9B] =	sst s1;
	(tag) =	ssettag s2;
	_ =	strace s9  }
0x27: {  	s1 =	sld [smem:$0x3FAB]  }
0x28: {  	s2 =	sld [smem:$0x3FAC]  }
0x29: {  	s4 =	sld [smem:$0x3FAE]  }
0x2a: {  	p0 =	seq.s32 s5, $0x0;
	s5 =	sld [smem:$0x3FAF]  }
0x2b: {  	s6 =	sld [smem:$0x3FB0]  }
0x2c: {  	s7 =	sld [smem:$0x3FB1]  }
0x2d: {  	s3 =	simm.s32 $0x108;
	s8 =	sld [smem:$0x3FB2]  }
0x2e: {  	s3 =	simm.s32 @!p0 $0x1082;
	s9 =	sld [smem:$0x3FB3]  }
0x2f: {  	lr =	sadd.s32 s0, s3;
	s0 =	sld [smem:$0x3FAA]  }
0x30: {  	s3 =	sld [smem:$0x3FAD]  }
0x31: {  	[smem:$0x3FB6] =	sst s10  }
0x32: {  	s10 =	sld [smem:$0x3FB4];
	_ =	sdelay $0x3  }
0x33: {  	p0 =	seq.s32 s10, $0x1;
	s10 =	sld [smem:$0x3FB6];
	_ =	sdelay $0x3  }
0x34: {  	[smem:$0x3FB6] =	sst s10  }
0x35: {  	s10 =	sld [smem:$0x3FB5];
	_ =	sdelay $0x3  }
0x36: {  	p1 =	seq.s32 s10, $0x1;
	s10 =	sld [smem:$0x3FB6];
	_ =	sdelay $0x3  }
0x37: {  	[smem:$0x3FB6] =	sst s10  }
0x38: {  	s10 =	sld [smem:$0x3FB7]  }
0x39: {  	_ = 	snop;
	(pc) =	sbr.ind lr, $3  }
0x3a: {  	_ = 	snop  }
0x3b: {  	_ = 	snop  }
0x3c: {  	p2 =	seq.s32 s10, $0x1;
	s10 =	sld [smem:$0x3FB6]  }
0x3d: {  	_ =	shalt  }
0x3e: {  	_ =	shalt  }
0x3f: {  	_ =	shalt  }
0x40: {  	_ =	shalt  }
0x41: {  	_ =	shalt  }
0x42: {  	_ =	shalt  }
0x43: {  	_ =	shalt  }
0x44: {  	_ =	shalt  }
0x45: {  	_ =	shalt  }
0x46: {  	_ =	shalt  }
0x47: {  	_ =	shalt  }
0x48: {  	_ =	shalt  }
0x49: {  	_ =	shalt  }
0x4a: {  	_ =	shalt  }
0x4b: {  	_ =	shalt  }
0x4c: {  	_ =	shalt  }
0x4d: {  	_ =	shalt  }
0x4e: {  	_ =	shalt  }
0x4f: {  	_ =	shalt  }
0x50: {  	_ =	shalt  }
0x51: {  	_ =	shalt  }
0x52: {  	_ =	shalt  }
0x53: {  	_ =	shalt  }
0x54: {  	_ =	shalt  }
0x55: {  	_ =	shalt  }
0x56: {  	_ =	shalt  }
0x57: {  	_ =	shalt  }
0x58: {  	_ =	shalt  }
0x59: {  	_ =	shalt  }
0x5a: {  	_ =	shalt  }
0x5b: {  	_ =	shalt  }
0x5c: {  	_ =	shalt  }
0x5d: {  	_ =	shalt  }
0x5e: {  	_ =	shalt  }
0x5f: {  	_ =	shalt  }
0x60: {  	_ =	shalt  }
0x61: {  	_ =	shalt  }
0x62: {  	_ =	shalt  }
0x63: {  	_ =	shalt  }
0x64: {  	_ =	shalt  }
0x65: {  	_ =	shalt  }
0x66: {  	_ =	shalt  }
0x67: {  	_ =	shalt  }
0x68: {  	_ =	shalt  }
0x69: {  	_ =	shalt  }
0x6a: {  	_ =	shalt  }
0x6b: {  	_ =	shalt  }
0x6c: {  	_ =	shalt  }
0x6d: {  	_ =	shalt  }
0x6e: {  	_ =	shalt  }
0x6f: {  	_ =	shalt  }
0x70: {  	_ =	shalt  }
0x71: {  	_ =	shalt  }
0x72: {  	_ =	shalt  }
0x73: {  	_ =	shalt  }
0x74: {  	_ =	shalt  }
0x75: {  	_ =	shalt  }
0x76: {  	_ =	shalt  }
0x77: {  	_ =	shalt  }
0x78: {  	_ =	shalt  }
0x79: {  	_ =	shalt  }
0x7a: {  	_ =	shalt  }
0x7b: {  	_ =	shalt  }
0x7c: {  	_ =	shalt  }
0x7d: {  	_ =	shalt  }
0x7e: {  	_ =	shalt  }
0x7f: {  	_ =	shalt  }
0x80: {  	_ =	shalt  }
0x81: {  	_ =	shalt  }
0x82: {  	_ =	shalt  }
0x83: {  	_ =	shalt  }
0x84: {  	_ =	shalt  }
0x85: {  	_ =	shalt  }
0x86: {  	_ =	shalt  }
0x87: {  	_ =	shalt  }
.Lfunc_end0:
.L_simem_size_0:
called_computation_lowered:
.L_overlay_start_0:
0x88: {  	s2 =	sld [smem:$0x3FD9]  }
0x89: {  	s3 =	sld [smem:$0x3FFE];
	_ =	sdelay $0x1  }
0x8a: {  	s1 =	srdreg.scid  }
0x8b: {  	s0 =	sand.u32 $0x1, s1  }
0x8c: {  	s17 =	sshll.u32 s0, $0xA;
	s2 =	sadd.s32 s3, s2  }
0x8d: {  	s2 =	sadd.s32 s2, s17  }
0x8e: {  	[smem:$0x3FC2] =	sst s2  }
0x8f: {  	_ = 	snop  }
0x90: {  	s2 =	sld [smem:$0x3FD0];
	(tm) =	ssettm $0x1  }
0x91: {  	s18 =	sld [smem:$0x3FFB];
	_ =	sdelay $0x3  }
0x92: {  	_ =	strace s18  }
0x93: {  	s3 =	sld [smem:$0x3FFC];
	_ =	sdelay $0x3  }
0x94: {  	_ =	strace s3  }
0x95: {  	s3 =	sld [smem:$0x3FFD];
	_ =	sdelay $0x3  }
0x96: {  	_ =	strace s3  }
0x97: {  	_ =	strace $0x8FFFFFFF  }
0x98: {  	s19 =	sld [smem:$0x3FDB];
	_ =	sdelay $0x1  }
0x99: {  	s4 =	simm.s32 $_scs_section_size  }
0x9a: {  	s5 =	simm.s32 $_size__tile_overlayer_lowered;
	s6 =	simm.s32 $_tile_overlayer_lowered  }
0x9b: {  	s22 =	simm.s32 $0x1BFF;
	s21 =	sshll.u32 s6, $0x1;
	s3 =	sadd.s32 s4, s19  }
0x9c: {  	s7 =	simm.s32 $0x0;
	s20 =	sshll.u32 s5, $0x1;
	s5 =	sadd.s32 s21, s3  }
0x9d: {  	[timem:s7], [sflag:s22] =	dma.local [hbm:s5], s20  }
0x9e: {  	_ =	swait.ge [sflag:s22], s20  }
0x9f: {  	s4 =	ssub.s32 $0x0, s20;
	[sflag:s22] =	ssyncset.done $0x0  }
0xa0: {  	[sflag:s22] =	ssyncadd.s32 s4;
	_ =	sdelay $0x1  }
0xa1: {  	s23 =	simm.s32 $0x1B8B  }
0xa2: {  	_ =	swait.ge [sflag:s23], $0x1  }
0xa3: {  	[sflag:s23] =	ssyncset.done $0x0  }
0xa4: {  	s25 =	simm.s32 $0x1B8E;
	s24 =	sld [smem:$0x3FFE];
	[sflag:s23] =	ssyncadd.s32 $0xFFFFFFFF  }
0xa5: {  	s26 =	simm.s32 $execute0_lowered;
	[smem:$0x3FD2] =	sst s25  }
0xa6: {  	s5 =	sshll.u32 s26, $0x1;
	_ =	strace $0x80000046;
	[dreg:$0x1] =	wrdreg $0xFFFFFFFF  }
0xa7: {  	s28 =	simm.s32 $_size_execute0_lowered;
	s3 =	sadd.s32 s3, s5;
	[dreg:$0x0] =	wrdreg $0x0  }
0xa8: {  	s5 =	sshll.u32 s28, $0x1;
	[dreg:$0x2] =	wrdreg s3  }
0xa9: {  	[dreg:$0x3] =	wrdreg s5  }
0xaa: {  	[dreg:$0x4] =	wrdreg $0xC0  }
0xab: {  	_ =	task [dreg:s7], $0x5FFFF  }
0xac: {  	[dreg:$0x1] =	wrdreg $0xFFFFFFFF  }
0xad: {  	[dreg:$0x0] =	wrdreg $0x60  }
0xae: {  	[dreg:$0x2] =	wrdreg s24  }
0xaf: {  	[dreg:$0x3] =	wrdreg s2  }
0xb0: {  	[dreg:$0x4] =	wrdreg $0x2F800  }
0xb1: {  	[dreg:$0x5] =	wrdreg $0x9  }
0xb2: {  	_ =	task.clear_ibuf [dreg:s7], $0x6FFFF;
	_ =	strace $0x90000046  }
0xb3: {  	s29 =	simm.s32 $0x9;
	_ =	strace $0x80000048  }
0xb4: {  	_ =	swait.ge [sflag:s29], $0x1  }
0xb5: {  	[sflag:s29] =	ssyncadd.s32 $0xFFFFFFFF  }
0xb6: {  	_ =	strace $0x90000048  }
0xb7: {  	_ =	sfence  }
0xb8: {  	s30 =	sld [smem:$0x0];
	_ =	sdelay $0x2  }
0xb9: {  	s31 =	sshll.u32 s1, $0xD;
	s1 =	sshrl.u32 s1, $0x2  }
0xba: {  	s3 =	sand.u32 $0x4000, s31;
	s1 =	sadd.s32 s1, s30  }
0xbb: {  	s0 =	sor.u32 s3, s0;
	s1 =	sshll.u32 s1, $0x11  }
0xbc: {  	s0 =	sor.u32 s1, s0  }
0xbd: {  	s0 =	sadd.s32 $0x8F2B, s0  }
0xbe: {  	[sflag:s0] =	ssyncadd.remote.s32 $0x1  }
0xbf: {  	_ =	sfence.sel $0xFFFF  }
0xc0: {  	[dreg:$0x0] =	wrdreg $0xFFFFFFFF;
	(pc) =	sbr.abs _section_cstart, $3  }
0xc1: {  	[dreg:$0x1] =	wrdreg $0xFFFFFFFF  }
0xc2: {  	_ =	task.clear_ibuf [dreg:s7], $0x2FFFF;
	_ =	strace $0x9FFFFFFF  }
0xc3: {  	(tm) =	ssettm $0x7FFFFFFF  }
tec
execute0_lowered:
.L_overlay_start_1:
0x0: {  	(tag) =	ssettag $0x1  }
0x1: {  	s4 =	rddreg [dreg:$0x0]  }
0x2: {  	s7 =	rddreg [dreg:$0x1]  }
0x3: {  	s1 =	rddreg [dreg:$0x2]  }
0x4: {  	s2 =	srdreg.scid;
	s0 =	rddreg [dreg:$0x3];
	s3 =	simm.s32 $0x0  }
0x5: {  	s12 =	simm.s32 $0x2780;
	s13 =	simm.s32 $0x1;
	s14 =	simm.s32 $0x2400  }
0x6: {  	s15 =	simm.s32 $0x2480;
	s16 =	simm.s32 $0x2500;
	s17 =	simm.s32 $0x2580  }
0x7: {  	s18 =	simm.s32 $0x2600;
	s19 =	simm.s32 $0x2680;
	s20 =	simm.s32 $0x2700  }
0x8: {  	s5 =	sand.u32 $0x1, s2;
	s2 =	stileid.u32;
	[smem:$0x7FF] =	sst s3  }
0x9: {  	s6 =	sshll.u32 s5, $0x4;
	s8 =	smul.u32 $0x2800, s2;
	_ =	strace $0x80000047  }
0xa: {  	s9 =	ssub.s32 $0x2, s5;
	s5 =	smul.u32 $0x28000, s5;
	s6 =	sor.u32 s2, s6  }
0xb: {  	s31 =	sshll.u32 s2, $0x6;
	s11 =	sshrl.u32 s9, $0x1;
	s6 =	smul.u32 $0x4F0, s6  }
0xc: {  	s10 =	sshrl.u32 s8, $0x3;
	s9 =	ssub.s32 s9, s11;
	s30 =	sadd.s32 s8, s1  }
0xd: {  	s8 =	sadd.s32 s8, s5;
	s5 =	sor.u32 $0x1C02, s31;
	s11 =	simm.s32 $0x80  }
0xe: {  	s8 =	sshrl.u32 s8, $0x3;
	s6 =	sadd.s32 s6, s4;
	s4 =	sadd.s32 s10, s4  }
0xf: {  	v0 =	vimm.f32 $0.0e+00;
	vm0 =	vcmask $0x300;
	s7 =	sadd.s32 s7, s8;
	s8 =	smax.u32 s9, $0x1;
	s9 =	sshrl.u32 s30, $0x3  }
0x10: {  	v0 =	vsel vm0, $0x3F800000, v0;
	s10 =	simm.s32 $0x2;
	s4 =	sadd.s32 $0xC000, s4;
	s6 =	sadd.s32 $0x2200, s6  }
.LBB2_1:
0x11: {  	s21 =	simm.s32 $0x40;
	s22 =	simm.s32 $0x0  }
.LBB2_2:
0x12: {  	p0 =	sne.s32 s21, $0x1FC0;
	[tilespmem:s22+$0x2780] =	vst v0;
	s22 =	smov.u32 s21;
	s21 =	sadd.s32 $0x40, s21  }
.Ltmp0:
0x13: {  	(pc) =	sbr.rel @p0 .LBB2_2-.Ltmp0, $2  }
0x14: {  	_ =	sdelay $0x2  }
0x15: {  	s22 =	sshra.s32 s22, $0x2  }
0x16: {  	[tilespmem:s22+$0x2780] =	vst v0  }
0x17: {  	[spmem:s9], [sflag:s5] =	dma.local [hbm:s4], $0x500  }
0x18: {  	_ =	swait.ge [sflag:s10], $0x500  }
0x19: {  	[sflag:s10] =	ssyncset.done $0x0  }
0x1a: {  	s21 =	simm.s32 $0x0;
	[sflag:s10] =	ssyncadd.s32 $0xFFFFFB00  }
0x1b: {  	[tilespmem:s21], [sflag:$0x2] =	stream.linear.gather [hbm4b:s6+s21], $0x2780, $0x38;
	[tilespmem:$0x5780] =	vst v63  }
0x1c: {  	_ =	swait.ge [sflag:s10], $0x2780  }
0x1d: {  	[sflag:s10] =	ssyncset.done $0x0  }
0x1e: {  	[sflag:s10] =	ssyncadd.s32 $0xFFFFD880  }
0x1f: {  	s23 =	simm.s32 $0x0;
	[bflag:$0x0] =	sbarrier.arrive $0xFFFF  }
0x20: {  	[spmem:s1] =	stream.indirect.scatter.add.f32 [tilespmem:s12], [sflag:$0x1], $0x10, s23, s11, $0xb8;
	[tilespmem:$0x5780] =	vst v63  }
0x21: {  	s24 =	simm.s32 $0x80  }
0x22: {  	[spmem:s1] =	stream.indirect.scatter.add.f32 [tilespmem:s12], [sflag:$0x1], $0x10, s24, s11, $0xb8;
	[tilespmem:$0x5780] =	vst v63  }
0x23: {  	s25 =	simm.s32 $0x100  }
0x24: {  	[spmem:s1] =	stream.indirect.scatter.add.f32 [tilespmem:s12], [sflag:$0x1], $0x10, s25, s11, $0xb8;
	[tilespmem:$0x5780] =	vst v63  }
0x25: {  	s26 =	simm.s32 $0x180  }
0x26: {  	[spmem:s1] =	stream.indirect.scatter.add.f32 [tilespmem:s12], [sflag:$0x1], $0x10, s26, s11, $0xb8;
	[tilespmem:$0x5780] =	vst v63  }
0x27: {  	s28 =	simm.s32 $0x200  }
0x28: {  	[spmem:s1] =	stream.indirect.scatter.add.f32 [tilespmem:s12], [sflag:$0x1], $0x10, s28, s11, $0xb8;
	[tilespmem:$0x5780] =	vst v63  }
0x29: {  	s29 =	simm.s32 $0x280  }
0x2a: {  	[spmem:s1] =	stream.indirect.scatter.add.f32 [tilespmem:s12], [sflag:$0x1], $0x10, s29, s11, $0xb8;
	[tilespmem:$0x5780] =	vst v63  }
0x2b: {  	s30 =	simm.s32 $0x300  }
0x2c: {  	[spmem:s1] =	stream.indirect.scatter.add.f32 [tilespmem:s12], [sflag:$0x1], $0x10, s30, s11, $0xb8;
	[tilespmem:$0x5780] =	vst v63  }
0x2d: {  	s31 =	simm.s32 $0x380  }
0x2e: {  	[spmem:s1] =	stream.indirect.scatter.add.f32 [tilespmem:s12], [sflag:$0x1], $0x10, s31, s11, $0xb8;
	[tilespmem:$0x5780] =	vst v63  }
0x2f: {  	_ =	swait.ge [sflag:s13], $0x800  }
0x30: {  	[sflag:s13] =	ssyncset.done $0x0  }
0x31: {  	[sflag:s13] =	ssyncadd.s32 $0xFFFFF800  }
0x32: {  	_ =	swait.ge [sflag:s13], $0x800  }
0x33: {  	[sflag:s13] =	ssyncset.done $0x0  }
0x34: {  	[sflag:s13] =	ssyncadd.s32 $0xFFFFF800  }
0x35: {  	_ =	swait.ge [sflag:s13], $0x800  }
0x36: {  	[sflag:s13] =	ssyncset.done $0x0  }
0x37: {  	[sflag:s13] =	ssyncadd.s32 $0xFFFFF800  }
0x38: {  	_ =	swait.ge [sflag:s13], $0x800  }
0x39: {  	[sflag:s13] =	ssyncset.done $0x0  }
0x3a: {  	[sflag:s13] =	ssyncadd.s32 $0xFFFFF800  }
0x3b: {  	_ =	swait.ge [sflag:s13], $0x800  }
0x3c: {  	[sflag:s13] =	ssyncset.done $0x0  }
0x3d: {  	[sflag:s13] =	ssyncadd.s32 $0xFFFFF800  }
0x3e: {  	_ =	swait.ge [sflag:s13], $0x800  }
0x3f: {  	[sflag:s13] =	ssyncset.done $0x0  }
0x40: {  	[sflag:s13] =	ssyncadd.s32 $0xFFFFF800  }
0x41: {  	_ =	swait.ge [sflag:s13], $0x800  }
0x42: {  	[sflag:s13] =	ssyncset.done $0x0  }
0x43: {  	[sflag:s13] =	ssyncadd.s32 $0xFFFFF800  }
0x44: {  	_ =	swait.ge [sflag:s13], $0x800  }
0x45: {  	s21 =	simm.s32 $0x1000;
	s23 =	simm.s32 $0x2000;
	[sflag:s13] =	ssyncset.done $0x0  }
.LBB2_4:
0x46: {  	s24 =	sshra.s32 s21, $0x2  }
0x47: {  	[sflag:s13] =	ssyncadd.s32 $0xFFFFF800;
	s21 =	smov.u32 s23;
	s22 =	sadd.s32 $0x1000, s23  }
0x48: {  	[spmem:s1] =	stream.indirect.scatter.add.f32 [tilespmem:s12], [sflag:$0x1], $0x10, s24, s11, $0xb8;
	[tilespmem:$0x5780] =	vst v63  }
0x49: {  	p0 =	sne.s32 s23, $0x8000;
	s23 =	sadd.s32 $0x80, s24  }
0x4a: {  	[spmem:s1] =	stream.indirect.scatter.add.f32 [tilespmem:s12], [sflag:$0x1], $0x10, s23, s11, $0xb8;
	[tilespmem:$0x5780] =	vst v63  }
0x4b: {  	s23 =	sadd.s32 $0x100, s24  }
0x4c: {  	[spmem:s1] =	stream.indirect.scatter.add.f32 [tilespmem:s12], [sflag:$0x1], $0x10, s23, s11, $0xb8;
	[tilespmem:$0x5780] =	vst v63  }
0x4d: {  	s23 =	sadd.s32 $0x180, s24  }
0x4e: {  	[spmem:s1] =	stream.indirect.scatter.add.f32 [tilespmem:s12], [sflag:$0x1], $0x10, s23, s11, $0xb8;
	[tilespmem:$0x5780] =	vst v63  }
0x4f: {  	s23 =	sadd.s32 $0x200, s24  }
0x50: {  	[spmem:s1] =	stream.indirect.scatter.add.f32 [tilespmem:s12], [sflag:$0x1], $0x10, s23, s11, $0xb8;
	[tilespmem:$0x5780] =	vst v63  }
0x51: {  	s23 =	sadd.s32 $0x280, s24  }
0x52: {  	[spmem:s1] =	stream.indirect.scatter.add.f32 [tilespmem:s12], [sflag:$0x1], $0x10, s23, s11, $0xb8;
	[tilespmem:$0x5780] =	vst v63  }
0x53: {  	s23 =	sadd.s32 $0x300, s24  }
0x54: {  	[spmem:s1] =	stream.indirect.scatter.add.f32 [tilespmem:s12], [sflag:$0x1], $0x10, s23, s11, $0xb8;
	[tilespmem:$0x5780] =	vst v63  }
0x55: {  	s23 =	sadd.s32 $0x380, s24  }
0x56: {  	[spmem:s1] =	stream.indirect.scatter.add.f32 [tilespmem:s12], [sflag:$0x1], $0x10, s23, s11, $0xb8;
	[tilespmem:$0x5780] =	vst v63  }
0x57: {  	_ =	swait.ge [sflag:s13], $0x800  }
0x58: {  	[sflag:s13] =	ssyncset.done $0x0  }
0x59: {  	[sflag:s13] =	ssyncadd.s32 $0xFFFFF800  }
0x5a: {  	_ =	swait.ge [sflag:s13], $0x800  }
0x5b: {  	[sflag:s13] =	ssyncset.done $0x0  }
0x5c: {  	[sflag:s13] =	ssyncadd.s32 $0xFFFFF800  }
0x5d: {  	_ =	swait.ge [sflag:s13], $0x800  }
0x5e: {  	[sflag:s13] =	ssyncset.done $0x0  }
0x5f: {  	[sflag:s13] =	ssyncadd.s32 $0xFFFFF800  }
0x60: {  	_ =	swait.ge [sflag:s13], $0x800  }
0x61: {  	[sflag:s13] =	ssyncset.done $0x0  }
0x62: {  	[sflag:s13] =	ssyncadd.s32 $0xFFFFF800  }
0x63: {  	_ =	swait.ge [sflag:s13], $0x800  }
0x64: {  	[sflag:s13] =	ssyncset.done $0x0  }
0x65: {  	[sflag:s13] =	ssyncadd.s32 $0xFFFFF800  }
0x66: {  	_ =	swait.ge [sflag:s13], $0x800  }
0x67: {  	[sflag:s13] =	ssyncset.done $0x0  }
0x68: {  	[sflag:s13] =	ssyncadd.s32 $0xFFFFF800  }
.Ltmp1:
0x69: {  	_ =	swait.ge [sflag:s13], $0x800;
	(pc) =	sbr.rel @p0 .LBB2_4-.Ltmp1, $4  }
0x6a: {  	[sflag:s13] =	ssyncset.done $0x0  }
0x6b: {  	[sflag:s13] =	ssyncadd.s32 $0xFFFFF800  }
0x6c: {  	_ =	swait.ge [sflag:s13], $0x800  }
0x6d: {  	s23 =	smov.u32 s22;
	[sflag:s13] =	ssyncset.done $0x0  }
0x6e: {  	s21 =	sshra.s32 s21, $0x2;
	[sflag:s13] =	ssyncadd.s32 $0xFFFFF800  }
0x6f: {  	[spmem:s1] =	stream.indirect.scatter.add.f32 [tilespmem:s12], [sflag:$0x1], $0x10, s21, s11, $0xb8;
	[tilespmem:$0x5780] =	vst v63  }
0x70: {  	s22 =	sadd.s32 $0x80, s21  }
0x71: {  	[spmem:s1] =	stream.indirect.scatter.add.f32 [tilespmem:s12], [sflag:$0x1], $0x10, s22, s11, $0xb8;
	[tilespmem:$0x5780] =	vst v63  }
0x72: {  	s26 =	sadd.s32 $0x100, s21  }
0x73: {  	[spmem:s1] =	stream.indirect.scatter.add.f32 [tilespmem:s12], [sflag:$0x1], $0x10, s26, s11, $0xb8;
	[tilespmem:$0x5780] =	vst v63  }
0x74: {  	s28 =	sadd.s32 $0x180, s21  }
0x75: {  	[spmem:s1] =	stream.indirect.scatter.add.f32 [tilespmem:s12], [sflag:$0x1], $0x10, s28, s11, $0xb8;
	[tilespmem:$0x5780] =	vst v63  }
0x76: {  	s29 =	sadd.s32 $0x200, s21  }
0x77: {  	[spmem:s1] =	stream.indirect.scatter.add.f32 [tilespmem:s12], [sflag:$0x1], $0x10, s29, s11, $0xb8;
	[tilespmem:$0x5780] =	vst v63  }
0x78: {  	s30 =	sadd.s32 $0x280, s21  }
0x79: {  	[spmem:s1] =	stream.indirect.scatter.add.f32 [tilespmem:s12], [sflag:$0x1], $0x10, s30, s11, $0xb8;
	[tilespmem:$0x5780] =	vst v63  }
0x7a: {  	s31 =	sadd.s32 $0x300, s21  }
0x7b: {  	[spmem:s1] =	stream.indirect.scatter.add.f32 [tilespmem:s12], [sflag:$0x1], $0x10, s31, s11, $0xb8;
	[tilespmem:$0x5780] =	vst v63  }
0x7c: {  	s21 =	sadd.s32 $0x380, s21  }
0x7d: {  	[spmem:s1] =	stream.indirect.scatter.add.f32 [tilespmem:s12], [sflag:$0x1], $0x10, s21, s11, $0xb8;
	[tilespmem:$0x5780] =	vst v63  }
0x7e: {  	_ =	swait.ge [sflag:s13], $0x800  }
0x7f: {  	[sflag:s13] =	ssyncset.done $0x0  }
0x80: {  	[sflag:s13] =	ssyncadd.s32 $0xFFFFF800  }
0x81: {  	_ =	swait.ge [sflag:s13], $0x800  }
0x82: {  	[sflag:s13] =	ssyncset.done $0x0  }
0x83: {  	[sflag:s13] =	ssyncadd.s32 $0xFFFFF800  }
0x84: {  	_ =	swait.ge [sflag:s13], $0x800  }
0x85: {  	[sflag:s13] =	ssyncset.done $0x0  }
0x86: {  	[sflag:s13] =	ssyncadd.s32 $0xFFFFF800  }
0x87: {  	_ =	swait.ge [sflag:s13], $0x800  }
0x88: {  	[sflag:s13] =	ssyncset.done $0x0  }
0x89: {  	[sflag:s13] =	ssyncadd.s32 $0xFFFFF800  }
0x8a: {  	_ =	swait.ge [sflag:s13], $0x800  }
0x8b: {  	[sflag:s13] =	ssyncset.done $0x0  }
0x8c: {  	[sflag:s13] =	ssyncadd.s32 $0xFFFFF800  }
0x8d: {  	_ =	swait.ge [sflag:s13], $0x800  }
0x8e: {  	[sflag:s13] =	ssyncset.done $0x0  }
0x8f: {  	[sflag:s13] =	ssyncadd.s32 $0xFFFFF800  }
0x90: {  	_ =	swait.ge [sflag:s13], $0x800  }
0x91: {  	[sflag:s13] =	ssyncset.done $0x0  }
0x92: {  	[sflag:s13] =	ssyncadd.s32 $0xFFFFF800  }
0x93: {  	_ =	swait.ge [sflag:s13], $0x800  }
0x94: {  	[sflag:s13] =	ssyncset.done $0x0  }
0x95: {  	[sflag:s13] =	ssyncadd.s32 $0xFFFFF800  }
0x96: {  	[spmem:s1] =	stream.indirect.scatter.add.f32 [tilespmem:s12], [sflag:$0x1], $0x10, s14, s11, $0xb8;
	[tilespmem:$0x5780] =	vst v63  }
0x97: {  	_ = 	snop  }
0x98: {  	[spmem:s1] =	stream.indirect.scatter.add.f32 [tilespmem:s12], [sflag:$0x1], $0x10, s15, s11, $0xb8;
	[tilespmem:$0x5780] =	vst v63  }
0x99: {  	_ = 	snop  }
0x9a: {  	[spmem:s1] =	stream.indirect.scatter.add.f32 [tilespmem:s12], [sflag:$0x1], $0x10, s16, s11, $0xb8;
	[tilespmem:$0x5780] =	vst v63  }
0x9b: {  	_ = 	snop  }
0x9c: {  	[spmem:s1] =	stream.indirect.scatter.add.f32 [tilespmem:s12], [sflag:$0x1], $0x10, s17, s11, $0xb8;
	[tilespmem:$0x5780] =	vst v63  }
0x9d: {  	_ = 	snop  }
0x9e: {  	[spmem:s1] =	stream.indirect.scatter.add.f32 [tilespmem:s12], [sflag:$0x1], $0x10, s18, s11, $0xb8;
	[tilespmem:$0x5780] =	vst v63  }
0x9f: {  	_ = 	snop  }
0xa0: {  	[spmem:s1] =	stream.indirect.scatter.add.f32 [tilespmem:s12], [sflag:$0x1], $0x10, s19, s11, $0xb8;
	[tilespmem:$0x5780] =	vst v63  }
0xa1: {  	_ = 	snop  }
0xa2: {  	[spmem:s1] =	stream.indirect.scatter.add.f32 [tilespmem:s12], [sflag:$0x1], $0x10, s20, s11, $0xb8;
	[tilespmem:$0x5780] =	vst v63  }
0xa3: {  	_ =	swait.ge [sflag:s13], $0x800  }
0xa4: {  	[sflag:s13] =	ssyncset.done $0x0  }
0xa5: {  	[sflag:s13] =	ssyncadd.s32 $0xFFFFF800  }
0xa6: {  	_ =	swait.ge [sflag:s13], $0x800  }
0xa7: {  	[sflag:s13] =	ssyncset.done $0x0  }
0xa8: {  	[sflag:s13] =	ssyncadd.s32 $0xFFFFF800  }
0xa9: {  	_ =	swait.ge [sflag:s13], $0x800  }
0xaa: {  	[sflag:s13] =	ssyncset.done $0x0  }
0xab: {  	[sflag:s13] =	ssyncadd.s32 $0xFFFFF800  }
0xac: {  	_ =	swait.ge [sflag:s13], $0x800  }
0xad: {  	[sflag:s13] =	ssyncset.done $0x0  }
0xae: {  	[sflag:s13] =	ssyncadd.s32 $0xFFFFF800  }
0xaf: {  	_ =	swait.ge [sflag:s13], $0x800  }
0xb0: {  	[sflag:s13] =	ssyncset.done $0x0  }
0xb1: {  	[sflag:s13] =	ssyncadd.s32 $0xFFFFF800  }
0xb2: {  	_ =	swait.ge [sflag:s13], $0x800  }
0xb3: {  	[sflag:s13] =	ssyncset.done $0x0  }
0xb4: {  	[sflag:s13] =	ssyncadd.s32 $0xFFFFF800  }
0xb5: {  	_ =	swait.ge [sflag:s13], $0x800  }
0xb6: {  	s3 =	sadd.s32 $0x1, s3;
	[sflag:s13] =	ssyncset.done $0x0  }
0xb7: {  	p0 =	sne.s32 s3, s8;
	[sflag:s13] =	ssyncadd.s32 $0xFFFFF800  }
.Ltmp2:
0xb8: {  	[bflag:$0x0] =	sbarrier.arrive $0xFFFF;
	(pc) =	sbr.rel @p0 .LBB2_1-.Ltmp2, $4  }
0xb9: {  	[hbm:s7], [sflag:s5] =	dma.local [spmem:s9], $0x500  }
0xba: {  	_ =	swait.ge [sflag:s10], $0x500  }
0xbb: {  	[sflag:s10] =	ssyncset.done $0x0  }
0xbc: {  	[sflag:s10] =	ssyncadd.s32 $0xFFFFFB00  }
0xbd: {  	_ =	sfence.sel $0x180000  }
0xbe: {  	[bflag:$0x0] =	sbarrier.arrive $0xFFFF  }
0xbf: {  	p0 =	sne.s32 s2, $0x0;
	_ =	strace $0x90000047  }
0xc0: {  	s0 =	sadd.s32 @!p0 $0x100000, s0;
	[bflag:$0x2] =	sbarrier.arrive $0xFFFF  }
0xc1: {  	[sflag:s0] =	ssyncadd.tile.s32 @!p0 $0x1;
	_ =	shalt  }
.Lfunc_end2:
_tile_overlayer_lowered:
.L_overlay_start_2:
0xc2: {  	(tag) =	ssettag $0x2  }
0xc3: {  	s0 =	rddreg [dreg:$0x0];
	s2 =	stileid.u32  }
0xc4: {  	s1 =	rddreg [dreg:$0x1];
	p0 =	sne.s32 s2, $0x0  }
0xc5: {  	s3 =	rddreg [dreg:$0x2];
	[bflag:$0x3] =	sbarrier.arrive $0xFFFF;
	s2 =	simm.s32 @!p0 $0x1C02  }
0xc6: {  	[timem:s3], [sflag:s2] =	dma.local @!p0 [hbm:s0], s1  }
0xc7: {  	s0 =	simm.s32 @!p0 $0x2  }
0xc8: {  	_ =	swait.ge @!p0 [sflag:s0], s1  }
0xc9: {  	s1 =	ssub.s32 @!p0 $0x0, s1;
	[sflag:s0] =	ssyncset.done @!p0 $0x0  }
0xca: {  	[sflag:s0] =	ssyncadd.s32 @!p0 s1  }
0xcb: {  	[bflag:$0x3] =	sbarrier.arrive $0xFFFF  }
0xcc: {  	_ =	shalt  }

</sc_bundles>
